<compile_context>
chip_gen: v7x
topology: tpu7x:2x2x1
jax: 0.10.2.dev20260603
libtpu: 0.0.44.dev20260713+nightly
codegen_flags: <defaults>
</compile_context>

<pallas_src>
import functools

import jax
import jax.numpy as jnp
from jax import lax
from jax.experimental import pallas as pl
from jax.experimental.pallas import tpu as pltpu
from jax.experimental.pallas import tpu_sc as plsc

DEPTH = 1000
BATCH = 16384

NC = 2
NS = 16
L = 16
NW = NC * NS
SPW = BATCH // NW
CR = 40
NCH = DEPTH // CR

_mesh = plsc.VectorSubcoreMesh(core_axis_name="c", subcore_axis_name="s")


@functools.partial(
    pl.kernel,
    out_type=jax.ShapeDtypeStruct((DEPTH, BATCH), jnp.float32),
    mesh=_mesh,
    scratch_types=[
        pltpu.VMEM((SPW,), jnp.int32),
        pltpu.VMEM((CR, SPW), jnp.float32),
        pltpu.VMEM((CR, SPW), jnp.float32),
        pltpu.SemaphoreType.DMA,
        pltpu.SemaphoreType.DMA,
    ],
    compiler_params=pltpu.CompilerParams(needs_layout_passes=False),
)
def _onehot_t_sc(x_hbm, out_hbm, idx_v, buf_a, buf_b, sem_a, sem_b):
    wid = lax.axis_index("s") * NC + lax.axis_index("c")
    base = wid * SPW

    idx_cp = pltpu.async_copy(x_hbm.at[pl.ds(base, SPW)], idx_v, sem_a)

    zeros16 = jnp.zeros((L,), jnp.float32)
    ones16 = jnp.ones((L,), jnp.float32)
    lane = lax.iota(jnp.int32, L)

    bufs = (buf_a, buf_b)
    sems = (sem_a, sem_b)

    def zero_buf(buf):
        def zero_rows(i, _):
            for o in range(0, SPW, L):
                buf[i, pl.ds(o, L)] = zeros16
            return 0

        lax.fori_loop(0, CR, zero_rows, 0)

    def put(buf, row0, vals):
        def group(g, _):
            idxs = idx_v[pl.ds(g * L, L)]
            rows = (idxs - row0).astype(jnp.uint32)
            mask = rows < CR
            rows = jnp.minimum(rows, CR - 1).astype(jnp.int32)
            plsc.store_scatter(buf, [rows, g * L + lane], vals, mask=mask)
            return 0

        lax.fori_loop(0, SPW // L, group, 0)

    def fire(buf, sem, c):
        put(buf, c * CR, ones16)
        pltpu.async_copy(
            buf, out_hbm.at[pl.ds(c * CR, CR), pl.ds(base, SPW)], sem
        )

    def drain_one(buf, sem):
        pltpu.make_async_copy(
            buf, out_hbm.at[pl.ds(0, CR), pl.ds(base, SPW)], sem
        ).wait()

    zero_buf(buf_a)
    idx_cp.wait()
    fire(buf_a, sem_a, 0)
    zero_buf(buf_b)
    fire(buf_b, sem_b, 1)

    def step(c, _):
        for b in range(2):
            @pl.when(c % 2 == b)
            def _():
                buf, sem = bufs[b], sems[b]
                drain_one(buf, sem)
                put(buf, (c - 2) * CR, zeros16)
                fire(buf, sem, c)
        return 0

    lax.fori_loop(2, NCH, step, 0)
    drain_one(buf_a, sem_a)
    drain_one(buf_b, sem_b)


def kernel(X_in, ones):
    del ones
    return _onehot_t_sc(X_in.astype(jnp.int32)).T

# --- scband reference (transcript-rebuilt; emitter-appended) ---
"""Pipeline reference for scband-one-hot-35055523070149 (READ-ONLY COPY).

The authoritative reference and input builder live on the scoring server;
editing this copy changes nothing except your own understanding.
"""

import jax, jax.numpy as jnp
import numpy as np

DEPTH = 1000
BATCH = 16384

def setup_inputs(seed: int = 0) -> dict:
    key = jax.random.key(seed)
    k1, = jax.random.split(key, 1)
    X_in = jax.random.randint(k1, (BATCH,), 0, DEPTH, dtype=jnp.int64 if jax.config.jax_enable_x64 else jnp.int32)
    ones = jnp.eye(DEPTH, dtype=jnp.float32)
    return {"X_in": X_in, "ones": ones}

def reference(X_in, ones):
    # OneHot.forward: index_select rows of the identity matrix by X_in
    idx = X_in.astype(jnp.int32)
    return jnp.take(ones, idx, axis=0)

if __name__ == "__main__":
    import jax
    _d = setup_inputs()
    print(jax.jit(kernel)(*tuple(_d.values())))

</pallas_src>

<mosaic_0001>
#map = affine_map<(d0, d1) -> (0)>
#map1 = affine_map<(d0, d1) -> (0, 0)>
module attributes {stable_mosaic.version = 14 : i64} {
  func.func @_onehot_t_sc(%arg0: i32, %arg1: i32, %arg2: memref<16384xi32, #tpu.memory_space<hbm>>, %arg3: memref<1000x16384xf32, #tpu.memory_space<hbm>>, %arg4: memref<512xi32, #tpu.memory_space<vmem>>, %arg5: memref<40x512xf32, #tpu.memory_space<vmem>>, %arg6: memref<40x512xf32, #tpu.memory_space<vmem>>, %arg7: memref<!tpu.dma_semaphore, #tpu.memory_space<semaphore_mem>>, %arg8: memref<!tpu.dma_semaphore, #tpu.memory_space<semaphore_mem>>) attributes {dimension_semantics = [#tpu.dimension_semantics<core_parallel>, #tpu.dimension_semantics<subcore_parallel>], iteration_bounds = array<i64: 2, 16>, scalar_prefetch = 0 : i64, scratch_operands = 5 : i64, tpu.core_type = #tpu.core_type<sc_vector_subcore>, window_params = [{transform_indices = #map}, {transform_indices = #map1}]} {
    %mul3A = arith.constant 2 : i32
    %mul3A_0 = arith.muli %arg1, %mul3A : i32
    %add3A = arith.addi %mul3A_0, %arg0 : i32
    %mul3A_1 = arith.constant 512 : i32
    %mul3A_2 = arith.muli %add3A, %mul3A_1 : i32
    %dma_start3A = tpu.memref_slice %arg2[%mul3A_2] : memref<16384xi32, #tpu.memory_space<hbm>> -> memref<512xi32, #tpu.memory_space<hbm>>
    %dma_start3A_3 = tpu.memref_slice %arg2[%mul3A_2] : memref<16384xi32, #tpu.memory_space<hbm>> -> memref<512xi32, #tpu.memory_space<hbm>>
    tpu.enqueue_dma source(%dma_start3A_3 : memref<512xi32, #tpu.memory_space<hbm>>) target(%arg4 : memref<512xi32, #tpu.memory_space<vmem>>) target_semaphore(%arg7 : memref<!tpu.dma_semaphore, #tpu.memory_space<semaphore_mem>>)
    %broadcast_in_dim3A = arith.constant 0.000000e+00 : f32
    %broadcast_in_dim3A_4 = vector.broadcast %broadcast_in_dim3A : f32 to vector<16xf32>
    %broadcast_in_dim3A_5 = arith.constant 1.000000e+00 : f32
    %broadcast_in_dim3A_6 = vector.broadcast %broadcast_in_dim3A_5 : f32 to vector<16xf32>
    %iota3A = tpu.iota {dimensions = array<i32: 0>} : vector<16xi32>
    %scan3A = arith.constant 0 : i32
    %scan3A_7 = arith.constant 0 : i32
    %scan3A_8 = arith.constant 40 : i32
    %scan3A_9 = arith.addi %scan3A_7, %scan3A_8 : i32
    %scan3A_10 = arith.constant 1 : i32
    %scan3A_11 = scf.for %scan3A_58 = %scan3A_7 to %scan3A_9 step %scan3A_10 iter_args(%scan3A_59 = %scan3A) -> (i32)  : i32 {
      %swap3A = arith.index_cast %scan3A_58 : i32 to index
      %swap3A_60 = arith.constant 0 : index
      %swap3A_61 = tpu.vector_load %arg5[%swap3A, %swap3A_60] {strides = array<i32>} : memref<40x512xf32, #tpu.memory_space<vmem>>, vector<16xf32>,
      tpu.vector_store %arg5[%swap3A, %swap3A_60], %broadcast_in_dim3A_4 {strides = array<i32>} : memref<40x512xf32, #tpu.memory_space<vmem>>, vector<16xf32>,
      %swap3A_62 = arith.index_cast %scan3A_58 : i32 to index
      %swap3A_63 = arith.constant 16 : index
      %swap3A_64 = tpu.vector_load %arg5[%swap3A_62, %swap3A_63] {strides = array<i32>} : memref<40x512xf32, #tpu.memory_space<vmem>>, vector<16xf32>,
      tpu.vector_store %arg5[%swap3A_62, %swap3A_63], %broadcast_in_dim3A_4 {strides = array<i32>} : memref<40x512xf32, #tpu.memory_space<vmem>>, vector<16xf32>,
      %swap3A_65 = arith.index_cast %scan3A_58 : i32 to index
      %swap3A_66 = arith.constant 32 : index
      %swap3A_67 = tpu.vector_load %arg5[%swap3A_65, %swap3A_66] {strides = array<i32>} : memref<40x512xf32, #tpu.memory_space<vmem>>, vector<16xf32>,
      tpu.vector_store %arg5[%swap3A_65, %swap3A_66], %broadcast_in_dim3A_4 {strides = array<i32>} : memref<40x512xf32, #tpu.memory_space<vmem>>, vector<16xf32>,
      %swap3A_68 = arith.index_cast %scan3A_58 : i32 to index
      %swap3A_69 = arith.constant 48 : index
      %swap3A_70 = tpu.vector_load %arg5[%swap3A_68, %swap3A_69] {strides = array<i32>} : memref<40x512xf32, #tpu.memory_space<vmem>>, vector<16xf32>,
      tpu.vector_store %arg5[%swap3A_68, %swap3A_69], %broadcast_in_dim3A_4 {strides = array<i32>} : memref<40x512xf32, #tpu.memory_space<vmem>>, vector<16xf32>,
      %swap3A_71 = arith.index_cast %scan3A_58 : i32 to index
      %swap3A_72 = arith.constant 64 : index
      %swap3A_73 = tpu.vector_load %arg5[%swap3A_71, %swap3A_72] {strides = array<i32>} : memref<40x512xf32, #tpu.memory_space<vmem>>, vector<16xf32>,
      tpu.vector_store %arg5[%swap3A_71, %swap3A_72], %broadcast_in_dim3A_4 {strides = array<i32>} : memref<40x512xf32, #tpu.memory_space<vmem>>, vector<16xf32>,
      %swap3A_74 = arith.index_cast %scan3A_58 : i32 to index
      %swap3A_75 = arith.constant 80 : index
      %swap3A_76 = tpu.vector_load %arg5[%swap3A_74, %swap3A_75] {strides = array<i32>} : memref<40x512xf32, #tpu.memory_space<vmem>>, vector<16xf32>,
      tpu.vector_store %arg5[%swap3A_74, %swap3A_75], %broadcast_in_dim3A_4 {strides = array<i32>} : memref<40x512xf32, #tpu.memory_space<vmem>>, vector<16xf32>,
      %swap3A_77 = arith.index_cast %scan3A_58 : i32 to index
      %swap3A_78 = arith.constant 96 : index
      %swap3A_79 = tpu.vector_load %arg5[%swap3A_77, %swap3A_78] {strides = array<i32>} : memref<40x512xf32, #tpu.memory_space<vmem>>, vector<16xf32>,
      tpu.vector_store %arg5[%swap3A_77, %swap3A_78], %broadcast_in_dim3A_4 {strides = array<i32>} : memref<40x512xf32, #tpu.memory_space<vmem>>, vector<16xf32>,
      %swap3A_80 = arith.index_cast %scan3A_58 : i32 to index
      %swap3A_81 = arith.constant 112 : index
      %swap3A_82 = tpu.vector_load %arg5[%swap3A_80, %swap3A_81] {strides = array<i32>} : memref<40x512xf32, #tpu.memory_space<vmem>>, vector<16xf32>,
      tpu.vector_store %arg5[%swap3A_80, %swap3A_81], %broadcast_in_dim3A_4 {strides = array<i32>} : memref<40x512xf32, #tpu.memory_space<vmem>>, vector<16xf32>,
      %swap3A_83 = arith.index_cast %scan3A_58 : i32 to index
      %swap3A_84 = arith.constant 128 : index
      %swap3A_85 = tpu.vector_load %arg5[%swap3A_83, %swap3A_84] {strides = array<i32>} : memref<40x512xf32, #tpu.memory_space<vmem>>, vector<16xf32>,
      tpu.vector_store %arg5[%swap3A_83, %swap3A_84], %broadcast_in_dim3A_4 {strides = array<i32>} : memref<40x512xf32, #tpu.memory_space<vmem>>, vector<16xf32>,
      %swap3A_86 = arith.index_cast %scan3A_58 : i32 to index
      %swap3A_87 = arith.constant 144 : index
      %swap3A_88 = tpu.vector_load %arg5[%swap3A_86, %swap3A_87] {strides = array<i32>} : memref<40x512xf32, #tpu.memory_space<vmem>>, vector<16xf32>,
      tpu.vector_store %arg5[%swap3A_86, %swap3A_87], %broadcast_in_dim3A_4 {strides = array<i32>} : memref<40x512xf32, #tpu.memory_space<vmem>>, vector<16xf32>,
      %swap3A_89 = arith.index_cast %scan3A_58 : i32 to index
      %swap3A_90 = arith.constant 160 : index
      %swap3A_91 = tpu.vector_load %arg5[%swap3A_89, %swap3A_90] {strides = array<i32>} : memref<40x512xf32, #tpu.memory_space<vmem>>, vector<16xf32>,
      tpu.vector_store %arg5[%swap3A_89, %swap3A_90], %broadcast_in_dim3A_4 {strides = array<i32>} : memref<40x512xf32, #tpu.memory_space<vmem>>, vector<16xf32>,
      %swap3A_92 = arith.index_cast %scan3A_58 : i32 to index
      %swap3A_93 = arith.constant 176 : index
      %swap3A_94 = tpu.vector_load %arg5[%swap3A_92, %swap3A_93] {strides = array<i32>} : memref<40x512xf32, #tpu.memory_space<vmem>>, vector<16xf32>,
      tpu.vector_store %arg5[%swap3A_92, %swap3A_93], %broadcast_in_dim3A_4 {strides = array<i32>} : memref<40x512xf32, #tpu.memory_space<vmem>>, vector<16xf32>,
      %swap3A_95 = arith.index_cast %scan3A_58 : i32 to index
      %swap3A_96 = arith.constant 192 : index
      %swap3A_97 = tpu.vector_load %arg5[%swap3A_95, %swap3A_96] {strides = array<i32>} : memref<40x512xf32, #tpu.memory_space<vmem>>, vector<16xf32>,
      tpu.vector_store %arg5[%swap3A_95, %swap3A_96], %broadcast_in_dim3A_4 {strides = array<i32>} : memref<40x512xf32, #tpu.memory_space<vmem>>, vector<16xf32>,
      %swap3A_98 = arith.index_cast %scan3A_58 : i32 to index
      %swap3A_99 = arith.constant 208 : index
      %swap3A_100 = tpu.vector_load %arg5[%swap3A_98, %swap3A_99] {strides = array<i32>} : memref<40x512xf32, #tpu.memory_space<vmem>>, vector<16xf32>,
      tpu.vector_store %arg5[%swap3A_98, %swap3A_99], %broadcast_in_dim3A_4 {strides = array<i32>} : memref<40x512xf32, #tpu.memory_space<vmem>>, vector<16xf32>,
      %swap3A_101 = arith.index_cast %scan3A_58 : i32 to index
      %swap3A_102 = arith.constant 224 : index
      %swap3A_103 = tpu.vector_load %arg5[%swap3A_101, %swap3A_102] {strides = array<i32>} : memref<40x512xf32, #tpu.memory_space<vmem>>, vector<16xf32>,
      tpu.vector_store %arg5[%swap3A_101, %swap3A_102], %broadcast_in_dim3A_4 {strides = array<i32>} : memref<40x512xf32, #tpu.memory_space<vmem>>, vector<16xf32>,
      %swap3A_104 = arith.index_cast %scan3A_58 : i32 to index
      %swap3A_105 = arith.constant 240 : index
      %swap3A_106 = tpu.vector_load %arg5[%swap3A_104, %swap3A_105] {strides = array<i32>} : memref<40x512xf32, #tpu.memory_space<vmem>>, vector<16xf32>,
      tpu.vector_store %arg5[%swap3A_104, %swap3A_105], %broadcast_in_dim3A_4 {strides = array<i32>} : memref<40x512xf32, #tpu.memory_space<vmem>>, vector<16xf32>,
      %swap3A_107 = arith.index_cast %scan3A_58 : i32 to index
      %swap3A_108 = arith.constant 256 : index
      %swap3A_109 = tpu.vector_load %arg5[%swap3A_107, %swap3A_108] {strides = array<i32>} : memref<40x512xf32, #tpu.memory_space<vmem>>, vector<16xf32>,
      tpu.vector_store %arg5[%swap3A_107, %swap3A_108], %broadcast_in_dim3A_4 {strides = array<i32>} : memref<40x512xf32, #tpu.memory_space<vmem>>, vector<16xf32>,
      %swap3A_110 = arith.index_cast %scan3A_58 : i32 to index
      %swap3A_111 = arith.constant 272 : index
      %swap3A_112 = tpu.vector_load %arg5[%swap3A_110, %swap3A_111] {strides = array<i32>} : memref<40x512xf32, #tpu.memory_space<vmem>>, vector<16xf32>,
      tpu.vector_store %arg5[%swap3A_110, %swap3A_111], %broadcast_in_dim3A_4 {strides = array<i32>} : memref<40x512xf32, #tpu.memory_space<vmem>>, vector<16xf32>,
      %swap3A_113 = arith.index_cast %scan3A_58 : i32 to index
      %swap3A_114 = arith.constant 288 : index
      %swap3A_115 = tpu.vector_load %arg5[%swap3A_113, %swap3A_114] {strides = array<i32>} : memref<40x512xf32, #tpu.memory_space<vmem>>, vector<16xf32>,
      tpu.vector_store %arg5[%swap3A_113, %swap3A_114], %broadcast_in_dim3A_4 {strides = array<i32>} : memref<40x512xf32, #tpu.memory_space<vmem>>, vector<16xf32>,
      %swap3A_116 = arith.index_cast %scan3A_58 : i32 to index
      %swap3A_117 = arith.constant 304 : index
      %swap3A_118 = tpu.vector_load %arg5[%swap3A_116, %swap3A_117] {strides = array<i32>} : memref<40x512xf32, #tpu.memory_space<vmem>>, vector<16xf32>,
      tpu.vector_store %arg5[%swap3A_116, %swap3A_117], %broadcast_in_dim3A_4 {strides = array<i32>} : memref<40x512xf32, #tpu.memory_space<vmem>>, vector<16xf32>,
      %swap3A_119 = arith.index_cast %scan3A_58 : i32 to index
      %swap3A_120 = arith.constant 320 : index
      %swap3A_121 = tpu.vector_load %arg5[%swap3A_119, %swap3A_120] {strides = array<i32>} : memref<40x512xf32, #tpu.memory_space<vmem>>, vector<16xf32>,
      tpu.vector_store %arg5[%swap3A_119, %swap3A_120], %broadcast_in_dim3A_4 {strides = array<i32>} : memref<40x512xf32, #tpu.memory_space<vmem>>, vector<16xf32>,
      %swap3A_122 = arith.index_cast %scan3A_58 : i32 to index
      %swap3A_123 = arith.constant 336 : index
      %swap3A_124 = tpu.vector_load %arg5[%swap3A_122, %swap3A_123] {strides = array<i32>} : memref<40x512xf32, #tpu.memory_space<vmem>>, vector<16xf32>,
      tpu.vector_store %arg5[%swap3A_122, %swap3A_123], %broadcast_in_dim3A_4 {strides = array<i32>} : memref<40x512xf32, #tpu.memory_space<vmem>>, vector<16xf32>,
      %swap3A_125 = arith.index_cast %scan3A_58 : i32 to index
      %swap3A_126 = arith.constant 352 : index
      %swap3A_127 = tpu.vector_load %arg5[%swap3A_125, %swap3A_126] {strides = array<i32>} : memref<40x512xf32, #tpu.memory_space<vmem>>, vector<16xf32>,
      tpu.vector_store %arg5[%swap3A_125, %swap3A_126], %broadcast_in_dim3A_4 {strides = array<i32>} : memref<40x512xf32, #tpu.memory_space<vmem>>, vector<16xf32>,
      %swap3A_128 = arith.index_cast %scan3A_58 : i32 to index
      %swap3A_129 = arith.constant 368 : index
      %swap3A_130 = tpu.vector_load %arg5[%swap3A_128, %swap3A_129] {strides = array<i32>} : memref<40x512xf32, #tpu.memory_space<vmem>>, vector<16xf32>,
      tpu.vector_store %arg5[%swap3A_128, %swap3A_129], %broadcast_in_dim3A_4 {strides = array<i32>} : memref<40x512xf32, #tpu.memory_space<vmem>>, vector<16xf32>,
      %swap3A_131 = arith.index_cast %scan3A_58 : i32 to index
      %swap3A_132 = arith.constant 384 : index
      %swap3A_133 = tpu.vector_load %arg5[%swap3A_131, %swap3A_132] {strides = array<i32>} : memref<40x512xf32, #tpu.memory_space<vmem>>, vector<16xf32>,
      tpu.vector_store %arg5[%swap3A_131, %swap3A_132], %broadcast_in_dim3A_4 {strides = array<i32>} : memref<40x512xf32, #tpu.memory_space<vmem>>, vector<16xf32>,
      %swap3A_134 = arith.index_cast %scan3A_58 : i32 to index
      %swap3A_135 = arith.constant 400 : index
      %swap3A_136 = tpu.vector_load %arg5[%swap3A_134, %swap3A_135] {strides = array<i32>} : memref<40x512xf32, #tpu.memory_space<vmem>>, vector<16xf32>,
      tpu.vector_store %arg5[%swap3A_134, %swap3A_135], %broadcast_in_dim3A_4 {strides = array<i32>} : memref<40x512xf32, #tpu.memory_space<vmem>>, vector<16xf32>,
      %swap3A_137 = arith.index_cast %scan3A_58 : i32 to index
      %swap3A_138 = arith.constant 416 : index
      %swap3A_139 = tpu.vector_load %arg5[%swap3A_137, %swap3A_138] {strides = array<i32>} : memref<40x512xf32, #tpu.memory_space<vmem>>, vector<16xf32>,
      tpu.vector_store %arg5[%swap3A_137, %swap3A_138], %broadcast_in_dim3A_4 {strides = array<i32>} : memref<40x512xf32, #tpu.memory_space<vmem>>, vector<16xf32>,
      %swap3A_140 = arith.index_cast %scan3A_58 : i32 to index
      %swap3A_141 = arith.constant 432 : index
      %swap3A_142 = tpu.vector_load %arg5[%swap3A_140, %swap3A_141] {strides = array<i32>} : memref<40x512xf32, #tpu.memory_space<vmem>>, vector<16xf32>,
      tpu.vector_store %arg5[%swap3A_140, %swap3A_141], %broadcast_in_dim3A_4 {strides = array<i32>} : memref<40x512xf32, #tpu.memory_space<vmem>>, vector<16xf32>,
      %swap3A_143 = arith.index_cast %scan3A_58 : i32 to index
      %swap3A_144 = arith.constant 448 : index
      %swap3A_145 = tpu.vector_load %arg5[%swap3A_143, %swap3A_144] {strides = array<i32>} : memref<40x512xf32, #tpu.memory_space<vmem>>, vector<16xf32>,
      tpu.vector_store %arg5[%swap3A_143, %swap3A_144], %broadcast_in_dim3A_4 {strides = array<i32>} : memref<40x512xf32, #tpu.memory_space<vmem>>, vector<16xf32>,
      %swap3A_146 = arith.index_cast %scan3A_58 : i32 to index
      %swap3A_147 = arith.constant 464 : index
      %swap3A_148 = tpu.vector_load %arg5[%swap3A_146, %swap3A_147] {strides = array<i32>} : memref<40x512xf32, #tpu.memory_space<vmem>>, vector<16xf32>,
      tpu.vector_store %arg5[%swap3A_146, %swap3A_147], %broadcast_in_dim3A_4 {strides = array<i32>} : memref<40x512xf32, #tpu.memory_space<vmem>>, vector<16xf32>,
      %swap3A_149 = arith.index_cast %scan3A_58 : i32 to index
      %swap3A_150 = arith.constant 480 : index
      %swap3A_151 = tpu.vector_load %arg5[%swap3A_149, %swap3A_150] {strides = array<i32>} : memref<40x512xf32, #tpu.memory_space<vmem>>, vector<16xf32>,
      tpu.vector_store %arg5[%swap3A_149, %swap3A_150], %broadcast_in_dim3A_4 {strides = array<i32>} : memref<40x512xf32, #tpu.memory_space<vmem>>, vector<16xf32>,
      %swap3A_152 = arith.index_cast %scan3A_58 : i32 to index
      %swap3A_153 = arith.constant 496 : index
      %swap3A_154 = tpu.vector_load %arg5[%swap3A_152, %swap3A_153] {strides = array<i32>} : memref<40x512xf32, #tpu.memory_space<vmem>>, vector<16xf32>,
      tpu.vector_store %arg5[%swap3A_152, %swap3A_153], %broadcast_in_dim3A_4 {strides = array<i32>} : memref<40x512xf32, #tpu.memory_space<vmem>>, vector<16xf32>,
      %scan3A_155 = arith.constant 0 : i32
      scf.yield %scan3A_155 : i32
    }
    %scan3A_12 = arith.constant 40 : i32
    %dma_wait3A = tpu.memref_slice %arg2[%mul3A_2] : memref<16384xi32, #tpu.memory_space<hbm>> -> memref<512xi32, #tpu.memory_space<hbm>>
    %dma_wait3A_13 = tpu.memref_slice %arg2[%mul3A_2] : memref<16384xi32, #tpu.memory_space<hbm>> -> memref<512xi32, #tpu.memory_space<hbm>>
    tpu.wait_dma2 semaphore(%arg7 : memref<!tpu.dma_semaphore, #tpu.memory_space<semaphore_mem>>) src(%dma_wait3A_13 : memref<512xi32, #tpu.memory_space<hbm>>) dst(%arg4 : memref<512xi32, #tpu.memory_space<vmem>>)
    %scan3A_14 = arith.constant 0 : i32
    %scan3A_15 = arith.constant 0 : i32
    %scan3A_16 = arith.constant 32 : i32
    %scan3A_17 = arith.addi %scan3A_15, %scan3A_16 : i32
    %scan3A_18 = arith.constant 1 : i32
    %scan3A_19 = scf.for %scan3A_58 = %scan3A_15 to %scan3A_17 step %scan3A_18 iter_args(%scan3A_59 = %scan3A_14) -> (i32)  : i32 {
      %mul3A_60 = arith.constant 16 : i32
      %mul3A_61 = arith.muli %scan3A_58, %mul3A_60 : i32
      %get3A = arith.index_cast %mul3A_61 : i32 to index
      %get3A_62 = tpu.vector_load %arg4[%get3A] {strides = array<i32>} : memref<512xi32, #tpu.memory_space<vmem>>, vector<16xi32>,
      %sub3A = arith.constant 0 : i32
      %sub3A_63 = vector.broadcast %sub3A : i32 to vector<16xi32>
      %sub3A_64 = arith.subi %get3A_62, %sub3A_63 : vector<16xi32>
      %lt3A = arith.constant 40 : i32
      %lt3A_65 = vector.broadcast %lt3A : i32 to vector<16xi32>
      %lt3A_66 = arith.cmpi ult, %sub3A_64, %lt3A_65 : vector<16xi32>
      %min3A = arith.constant 39 : i32
      %min3A_67 = vector.broadcast %min3A : i32 to vector<16xi32>
      %min3A_68 = arith.minui %sub3A_64, %min3A_67 : vector<16xi32>
      %mul3A_69 = arith.constant 16 : i32
      %mul3A_70 = arith.muli %scan3A_58, %mul3A_69 : i32
      %add3A_71 = vector.broadcast %mul3A_70 : i32 to vector<16xi32>
      %add3A_72 = arith.addi %add3A_71, %iota3A : vector<16xi32>
      tpu.vector_store_idx %arg5[%min3A_68, %add3A_72], %broadcast_in_dim3A_6 masked %lt3A_66 : memref<40x512xf32, #tpu.memory_space<vmem>>[vector<16xi32>, vector<16xi32>], vector<16xf32>, vector<16xi1>
      %scan3A_73 = arith.constant 0 : i32
      scf.yield %scan3A_73 : i32
    }
    %scan3A_20 = arith.constant 32 : i32
    %dma_start3A_21 = arith.constant 0 : i32
    %dma_start3A_22 = tpu.memref_slice %arg3[%dma_start3A_21, %mul3A_2] : memref<1000x16384xf32, #tpu.memory_space<hbm>> -> memref<40x512xf32, #tpu.memory_space<hbm>>
    %dma_start3A_23 = arith.constant 0 : i32
    %dma_start3A_24 = tpu.memref_slice %arg3[%dma_start3A_23, %mul3A_2] : memref<1000x16384xf32, #tpu.memory_space<hbm>> -> memref<40x512xf32, #tpu.memory_space<hbm>>
    tpu.enqueue_dma source(%arg5 : memref<40x512xf32, #tpu.memory_space<vmem>>) target(%dma_start3A_24 : memref<40x512xf32, #tpu.memory_space<hbm>>) target_semaphore(%arg7 : memref<!tpu.dma_semaphore, #tpu.memory_space<semaphore_mem>>)
    %scan3A_25 = arith.constant 0 : i32
    %scan3A_26 = arith.constant 0 : i32
    %scan3A_27 = arith.constant 40 : i32
    %scan3A_28 = arith.addi %scan3A_26, %scan3A_27 : i32
    %scan3A_29 = arith.constant 1 : i32
    %scan3A_30 = scf.for %scan3A_58 = %scan3A_26 to %scan3A_28 step %scan3A_29 iter_args(%scan3A_59 = %scan3A_25) -> (i32)  : i32 {
      %swap3A = arith.index_cast %scan3A_58 : i32 to index
      %swap3A_60 = arith.constant 0 : index
      %swap3A_61 = tpu.vector_load %arg6[%swap3A, %swap3A_60] {strides = array<i32>} : memref<40x512xf32, #tpu.memory_space<vmem>>, vector<16xf32>,
      tpu.vector_store %arg6[%swap3A, %swap3A_60], %broadcast_in_dim3A_4 {strides = array<i32>} : memref<40x512xf32, #tpu.memory_space<vmem>>, vector<16xf32>,
      %swap3A_62 = arith.index_cast %scan3A_58 : i32 to index
      %swap3A_63 = arith.constant 16 : index
      %swap3A_64 = tpu.vector_load %arg6[%swap3A_62, %swap3A_63] {strides = array<i32>} : memref<40x512xf32, #tpu.memory_space<vmem>>, vector<16xf32>,
      tpu.vector_store %arg6[%swap3A_62, %swap3A_63], %broadcast_in_dim3A_4 {strides = array<i32>} : memref<40x512xf32, #tpu.memory_space<vmem>>, vector<16xf32>,
      %swap3A_65 = arith.index_cast %scan3A_58 : i32 to index
      %swap3A_66 = arith.constant 32 : index
      %swap3A_67 = tpu.vector_load %arg6[%swap3A_65, %swap3A_66] {strides = array<i32>} : memref<40x512xf32, #tpu.memory_space<vmem>>, vector<16xf32>,
      tpu.vector_store %arg6[%swap3A_65, %swap3A_66], %broadcast_in_dim3A_4 {strides = array<i32>} : memref<40x512xf32, #tpu.memory_space<vmem>>, vector<16xf32>,
      %swap3A_68 = arith.index_cast %scan3A_58 : i32 to index
      %swap3A_69 = arith.constant 48 : index
      %swap3A_70 = tpu.vector_load %arg6[%swap3A_68, %swap3A_69] {strides = array<i32>} : memref<40x512xf32, #tpu.memory_space<vmem>>, vector<16xf32>,
      tpu.vector_store %arg6[%swap3A_68, %swap3A_69], %broadcast_in_dim3A_4 {strides = array<i32>} : memref<40x512xf32, #tpu.memory_space<vmem>>, vector<16xf32>,
      %swap3A_71 = arith.index_cast %scan3A_58 : i32 to index
      %swap3A_72 = arith.constant 64 : index
      %swap3A_73 = tpu.vector_load %arg6[%swap3A_71, %swap3A_72] {strides = array<i32>} : memref<40x512xf32, #tpu.memory_space<vmem>>, vector<16xf32>,
      tpu.vector_store %arg6[%swap3A_71, %swap3A_72], %broadcast_in_dim3A_4 {strides = array<i32>} : memref<40x512xf32, #tpu.memory_space<vmem>>, vector<16xf32>,
      %swap3A_74 = arith.index_cast %scan3A_58 : i32 to index
      %swap3A_75 = arith.constant 80 : index
      %swap3A_76 = tpu.vector_load %arg6[%swap3A_74, %swap3A_75] {strides = array<i32>} : memref<40x512xf32, #tpu.memory_space<vmem>>, vector<16xf32>,
      tpu.vector_store %arg6[%swap3A_74, %swap3A_75], %broadcast_in_dim3A_4 {strides = array<i32>} : memref<40x512xf32, #tpu.memory_space<vmem>>, vector<16xf32>,
      %swap3A_77 = arith.index_cast %scan3A_58 : i32 to index
      %swap3A_78 = arith.constant 96 : index
      %swap3A_79 = tpu.vector_load %arg6[%swap3A_77, %swap3A_78] {strides = array<i32>} : memref<40x512xf32, #tpu.memory_space<vmem>>, vector<16xf32>,
      tpu.vector_store %arg6[%swap3A_77, %swap3A_78], %broadcast_in_dim3A_4 {strides = array<i32>} : memref<40x512xf32, #tpu.memory_space<vmem>>, vector<16xf32>,
      %swap3A_80 = arith.index_cast %scan3A_58 : i32 to index
      %swap3A_81 = arith.constant 112 : index
      %swap3A_82 = tpu.vector_load %arg6[%swap3A_80, %swap3A_81] {strides = array<i32>} : memref<40x512xf32, #tpu.memory_space<vmem>>, vector<16xf32>,
      tpu.vector_store %arg6[%swap3A_80, %swap3A_81], %broadcast_in_dim3A_4 {strides = array<i32>} : memref<40x512xf32, #tpu.memory_space<vmem>>, vector<16xf32>,
      %swap3A_83 = arith.index_cast %scan3A_58 : i32 to index
      %swap3A_84 = arith.constant 128 : index
      %swap3A_85 = tpu.vector_load %arg6[%swap3A_83, %swap3A_84] {strides = array<i32>} : memref<40x512xf32, #tpu.memory_space<vmem>>, vector<16xf32>,
      tpu.vector_store %arg6[%swap3A_83, %swap3A_84], %broadcast_in_dim3A_4 {strides = array<i32>} : memref<40x512xf32, #tpu.memory_space<vmem>>, vector<16xf32>,
      %swap3A_86 = arith.index_cast %scan3A_58 : i32 to index
      %swap3A_87 = arith.constant 144 : index
      %swap3A_88 = tpu.vector_load %arg6[%swap3A_86, %swap3A_87] {strides = array<i32>} : memref<40x512xf32, #tpu.memory_space<vmem>>, vector<16xf32>,
      tpu.vector_store %arg6[%swap3A_86, %swap3A_87], %broadcast_in_dim3A_4 {strides = array<i32>} : memref<40x512xf32, #tpu.memory_space<vmem>>, vector<16xf32>,
      %swap3A_89 = arith.index_cast %scan3A_58 : i32 to index
      %swap3A_90 = arith.constant 160 : index
      %swap3A_91 = tpu.vector_load %arg6[%swap3A_89, %swap3A_90] {strides = array<i32>} : memref<40x512xf32, #tpu.memory_space<vmem>>, vector<16xf32>,
      tpu.vector_store %arg6[%swap3A_89, %swap3A_90], %broadcast_in_dim3A_4 {strides = array<i32>} : memref<40x512xf32, #tpu.memory_space<vmem>>, vector<16xf32>,
      %swap3A_92 = arith.index_cast %scan3A_58 : i32 to index
      %swap3A_93 = arith.constant 176 : index
      %swap3A_94 = tpu.vector_load %arg6[%swap3A_92, %swap3A_93] {strides = array<i32>} : memref<40x512xf32, #tpu.memory_space<vmem>>, vector<16xf32>,
      tpu.vector_store %arg6[%swap3A_92, %swap3A_93], %broadcast_in_dim3A_4 {strides = array<i32>} : memref<40x512xf32, #tpu.memory_space<vmem>>, vector<16xf32>,
      %swap3A_95 = arith.index_cast %scan3A_58 : i32 to index
      %swap3A_96 = arith.constant 192 : index
      %swap3A_97 = tpu.vector_load %arg6[%swap3A_95, %swap3A_96] {strides = array<i32>} : memref<40x512xf32, #tpu.memory_space<vmem>>, vector<16xf32>,
      tpu.vector_store %arg6[%swap3A_95, %swap3A_96], %broadcast_in_dim3A_4 {strides = array<i32>} : memref<40x512xf32, #tpu.memory_space<vmem>>, vector<16xf32>,
      %swap3A_98 = arith.index_cast %scan3A_58 : i32 to index
      %swap3A_99 = arith.constant 208 : index
      %swap3A_100 = tpu.vector_load %arg6[%swap3A_98, %swap3A_99] {strides = array<i32>} : memref<40x512xf32, #tpu.memory_space<vmem>>, vector<16xf32>,
      tpu.vector_store %arg6[%swap3A_98, %swap3A_99], %broadcast_in_dim3A_4 {strides = array<i32>} : memref<40x512xf32, #tpu.memory_space<vmem>>, vector<16xf32>,
      %swap3A_101 = arith.index_cast %scan3A_58 : i32 to index
      %swap3A_102 = arith.constant 224 : index
      %swap3A_103 = tpu.vector_load %arg6[%swap3A_101, %swap3A_102] {strides = array<i32>} : memref<40x512xf32, #tpu.memory_space<vmem>>, vector<16xf32>,
      tpu.vector_store %arg6[%swap3A_101, %swap3A_102], %broadcast_in_dim3A_4 {strides = array<i32>} : memref<40x512xf32, #tpu.memory_space<vmem>>, vector<16xf32>,
      %swap3A_104 = arith.index_cast %scan3A_58 : i32 to index
      %swap3A_105 = arith.constant 240 : index
      %swap3A_106 = tpu.vector_load %arg6[%swap3A_104, %swap3A_105] {strides = array<i32>} : memref<40x512xf32, #tpu.memory_space<vmem>>, vector<16xf32>,
      tpu.vector_store %arg6[%swap3A_104, %swap3A_105], %broadcast_in_dim3A_4 {strides = array<i32>} : memref<40x512xf32, #tpu.memory_space<vmem>>, vector<16xf32>,
      %swap3A_107 = arith.index_cast %scan3A_58 : i32 to index
      %swap3A_108 = arith.constant 256 : index
      %swap3A_109 = tpu.vector_load %arg6[%swap3A_107, %swap3A_108] {strides = array<i32>} : memref<40x512xf32, #tpu.memory_space<vmem>>, vector<16xf32>,
      tpu.vector_store %arg6[%swap3A_107, %swap3A_108], %broadcast_in_dim3A_4 {strides = array<i32>} : memref<40x512xf32, #tpu.memory_space<vmem>>, vector<16xf32>,
      %swap3A_110 = arith.index_cast %scan3A_58 : i32 to index
      %swap3A_111 = arith.constant 272 : index
      %swap3A_112 = tpu.vector_load %arg6[%swap3A_110, %swap3A_111] {strides = array<i32>} : memref<40x512xf32, #tpu.memory_space<vmem>>, vector<16xf32>,
      tpu.vector_store %arg6[%swap3A_110, %swap3A_111], %broadcast_in_dim3A_4 {strides = array<i32>} : memref<40x512xf32, #tpu.memory_space<vmem>>, vector<16xf32>,
      %swap3A_113 = arith.index_cast %scan3A_58 : i32 to index
      %swap3A_114 = arith.constant 288 : index
      %swap3A_115 = tpu.vector_load %arg6[%swap3A_113, %swap3A_114] {strides = array<i32>} : memref<40x512xf32, #tpu.memory_space<vmem>>, vector<16xf32>,
      tpu.vector_store %arg6[%swap3A_113, %swap3A_114], %broadcast_in_dim3A_4 {strides = array<i32>} : memref<40x512xf32, #tpu.memory_space<vmem>>, vector<16xf32>,
      %swap3A_116 = arith.index_cast %scan3A_58 : i32 to index
      %swap3A_117 = arith.constant 304 : index
      %swap3A_118 = tpu.vector_load %arg6[%swap3A_116, %swap3A_117] {strides = array<i32>} : memref<40x512xf32, #tpu.memory_space<vmem>>, vector<16xf32>,
      tpu.vector_store %arg6[%swap3A_116, %swap3A_117], %broadcast_in_dim3A_4 {strides = array<i32>} : memref<40x512xf32, #tpu.memory_space<vmem>>, vector<16xf32>,
      %swap3A_119 = arith.index_cast %scan3A_58 : i32 to index
      %swap3A_120 = arith.constant 320 : index
      %swap3A_121 = tpu.vector_load %arg6[%swap3A_119, %swap3A_120] {strides = array<i32>} : memref<40x512xf32, #tpu.memory_space<vmem>>, vector<16xf32>,
      tpu.vector_store %arg6[%swap3A_119, %swap3A_120], %broadcast_in_dim3A_4 {strides = array<i32>} : memref<40x512xf32, #tpu.memory_space<vmem>>, vector<16xf32>,
      %swap3A_122 = arith.index_cast %scan3A_58 : i32 to index
      %swap3A_123 = arith.constant 336 : index
      %swap3A_124 = tpu.vector_load %arg6[%swap3A_122, %swap3A_123] {strides = array<i32>} : memref<40x512xf32, #tpu.memory_space<vmem>>, vector<16xf32>,
      tpu.vector_store %arg6[%swap3A_122, %swap3A_123], %broadcast_in_dim3A_4 {strides = array<i32>} : memref<40x512xf32, #tpu.memory_space<vmem>>, vector<16xf32>,
      %swap3A_125 = arith.index_cast %scan3A_58 : i32 to index
      %swap3A_126 = arith.constant 352 : index
      %swap3A_127 = tpu.vector_load %arg6[%swap3A_125, %swap3A_126] {strides = array<i32>} : memref<40x512xf32, #tpu.memory_space<vmem>>, vector<16xf32>,
      tpu.vector_store %arg6[%swap3A_125, %swap3A_126], %broadcast_in_dim3A_4 {strides = array<i32>} : memref<40x512xf32, #tpu.memory_space<vmem>>, vector<16xf32>,
      %swap3A_128 = arith.index_cast %scan3A_58 : i32 to index
      %swap3A_129 = arith.constant 368 : index
      %swap3A_130 = tpu.vector_load %arg6[%swap3A_128, %swap3A_129] {strides = array<i32>} : memref<40x512xf32, #tpu.memory_space<vmem>>, vector<16xf32>,
      tpu.vector_store %arg6[%swap3A_128, %swap3A_129], %broadcast_in_dim3A_4 {strides = array<i32>} : memref<40x512xf32, #tpu.memory_space<vmem>>, vector<16xf32>,
      %swap3A_131 = arith.index_cast %scan3A_58 : i32 to index
      %swap3A_132 = arith.constant 384 : index
      %swap3A_133 = tpu.vector_load %arg6[%swap3A_131, %swap3A_132] {strides = array<i32>} : memref<40x512xf32, #tpu.memory_space<vmem>>, vector<16xf32>,
      tpu.vector_store %arg6[%swap3A_131, %swap3A_132], %broadcast_in_dim3A_4 {strides = array<i32>} : memref<40x512xf32, #tpu.memory_space<vmem>>, vector<16xf32>,
      %swap3A_134 = arith.index_cast %scan3A_58 : i32 to index
      %swap3A_135 = arith.constant 400 : index
      %swap3A_136 = tpu.vector_load %arg6[%swap3A_134, %swap3A_135] {strides = array<i32>} : memref<40x512xf32, #tpu.memory_space<vmem>>, vector<16xf32>,
      tpu.vector_store %arg6[%swap3A_134, %swap3A_135], %broadcast_in_dim3A_4 {strides = array<i32>} : memref<40x512xf32, #tpu.memory_space<vmem>>, vector<16xf32>,
      %swap3A_137 = arith.index_cast %scan3A_58 : i32 to index
      %swap3A_138 = arith.constant 416 : index
      %swap3A_139 = tpu.vector_load %arg6[%swap3A_137, %swap3A_138] {strides = array<i32>} : memref<40x512xf32, #tpu.memory_space<vmem>>, vector<16xf32>,
      tpu.vector_store %arg6[%swap3A_137, %swap3A_138], %broadcast_in_dim3A_4 {strides = array<i32>} : memref<40x512xf32, #tpu.memory_space<vmem>>, vector<16xf32>,
      %swap3A_140 = arith.index_cast %scan3A_58 : i32 to index
      %swap3A_141 = arith.constant 432 : index
      %swap3A_142 = tpu.vector_load %arg6[%swap3A_140, %swap3A_141] {strides = array<i32>} : memref<40x512xf32, #tpu.memory_space<vmem>>, vector<16xf32>,
      tpu.vector_store %arg6[%swap3A_140, %swap3A_141], %broadcast_in_dim3A_4 {strides = array<i32>} : memref<40x512xf32, #tpu.memory_space<vmem>>, vector<16xf32>,
      %swap3A_143 = arith.index_cast %scan3A_58 : i32 to index
      %swap3A_144 = arith.constant 448 : index
      %swap3A_145 = tpu.vector_load %arg6[%swap3A_143, %swap3A_144] {strides = array<i32>} : memref<40x512xf32, #tpu.memory_space<vmem>>, vector<16xf32>,
      tpu.vector_store %arg6[%swap3A_143, %swap3A_144], %broadcast_in_dim3A_4 {strides = array<i32>} : memref<40x512xf32, #tpu.memory_space<vmem>>, vector<16xf32>,
      %swap3A_146 = arith.index_cast %scan3A_58 : i32 to index
      %swap3A_147 = arith.constant 464 : index
      %swap3A_148 = tpu.vector_load %arg6[%swap3A_146, %swap3A_147] {strides = array<i32>} : memref<40x512xf32, #tpu.memory_space<vmem>>, vector<16xf32>,
      tpu.vector_store %arg6[%swap3A_146, %swap3A_147], %broadcast_in_dim3A_4 {strides = array<i32>} : memref<40x512xf32, #tpu.memory_space<vmem>>, vector<16xf32>,
      %swap3A_149 = arith.index_cast %scan3A_58 : i32 to index
      %swap3A_150 = arith.constant 480 : index
      %swap3A_151 = tpu.vector_load %arg6[%swap3A_149, %swap3A_150] {strides = array<i32>} : memref<40x512xf32, #tpu.memory_space<vmem>>, vector<16xf32>,
      tpu.vector_store %arg6[%swap3A_149, %swap3A_150], %broadcast_in_dim3A_4 {strides = array<i32>} : memref<40x512xf32, #tpu.memory_space<vmem>>, vector<16xf32>,
      %swap3A_152 = arith.index_cast %scan3A_58 : i32 to index
      %swap3A_153 = arith.constant 496 : index
      %swap3A_154 = tpu.vector_load %arg6[%swap3A_152, %swap3A_153] {strides = array<i32>} : memref<40x512xf32, #tpu.memory_space<vmem>>, vector<16xf32>,
      tpu.vector_store %arg6[%swap3A_152, %swap3A_153], %broadcast_in_dim3A_4 {strides = array<i32>} : memref<40x512xf32, #tpu.memory_space<vmem>>, vector<16xf32>,
      %scan3A_155 = arith.constant 0 : i32
      scf.yield %scan3A_155 : i32
    }
    %scan3A_31 = arith.constant 40 : i32
    %scan3A_32 = arith.constant 0 : i32
    %scan3A_33 = arith.constant 0 : i32
    %scan3A_34 = arith.constant 32 : i32
    %scan3A_35 = arith.addi %scan3A_33, %scan3A_34 : i32
    %scan3A_36 = arith.constant 1 : i32
    %scan3A_37 = scf.for %scan3A_58 = %scan3A_33 to %scan3A_35 step %scan3A_36 iter_args(%scan3A_59 = %scan3A_32) -> (i32)  : i32 {
      %mul3A_60 = arith.constant 16 : i32
      %mul3A_61 = arith.muli %scan3A_58, %mul3A_60 : i32
      %get3A = arith.index_cast %mul3A_61 : i32 to index
      %get3A_62 = tpu.vector_load %arg4[%get3A] {strides = array<i32>} : memref<512xi32, #tpu.memory_space<vmem>>, vector<16xi32>,
      %sub3A = arith.constant 40 : i32
      %sub3A_63 = vector.broadcast %sub3A : i32 to vector<16xi32>
      %sub3A_64 = arith.subi %get3A_62, %sub3A_63 : vector<16xi32>
      %lt3A = arith.constant 40 : i32
      %lt3A_65 = vector.broadcast %lt3A : i32 to vector<16xi32>
      %lt3A_66 = arith.cmpi ult, %sub3A_64, %lt3A_65 : vector<16xi32>
      %min3A = arith.constant 39 : i32
      %min3A_67 = vector.broadcast %min3A : i32 to vector<16xi32>
      %min3A_68 = arith.minui %sub3A_64, %min3A_67 : vector<16xi32>
      %mul3A_69 = arith.constant 16 : i32
      %mul3A_70 = arith.muli %scan3A_58, %mul3A_69 : i32
      %add3A_71 = vector.broadcast %mul3A_70 : i32 to vector<16xi32>
      %add3A_72 = arith.addi %add3A_71, %iota3A : vector<16xi32>
      tpu.vector_store_idx %arg6[%min3A_68, %add3A_72], %broadcast_in_dim3A_6 masked %lt3A_66 : memref<40x512xf32, #tpu.memory_space<vmem>>[vector<16xi32>, vector<16xi32>], vector<16xf32>, vector<16xi1>
      %scan3A_73 = arith.constant 0 : i32
      scf.yield %scan3A_73 : i32
    }
    %scan3A_38 = arith.constant 32 : i32
    %dma_start3A_39 = arith.constant 40 : i32
    %dma_start3A_40 = tpu.memref_slice %arg3[%dma_start3A_39, %mul3A_2] : memref<1000x16384xf32, #tpu.memory_space<hbm>> -> memref<40x512xf32, #tpu.memory_space<hbm>>
    %dma_start3A_41 = arith.constant 40 : i32
    %dma_start3A_42 = tpu.memref_slice %arg3[%dma_start3A_41, %mul3A_2] : memref<1000x16384xf32, #tpu.memory_space<hbm>> -> memref<40x512xf32, #tpu.memory_space<hbm>>
    tpu.enqueue_dma source(%arg6 : memref<40x512xf32, #tpu.memory_space<vmem>>) target(%dma_start3A_42 : memref<40x512xf32, #tpu.memory_space<hbm>>) target_semaphore(%arg8 : memref<!tpu.dma_semaphore, #tpu.memory_space<semaphore_mem>>)
    %scan3A_43 = arith.constant 0 : i32
    %scan3A_44 = arith.constant 2 : i32
    %scan3A_45 = arith.constant 23 : i32
    %scan3A_46 = arith.addi %scan3A_44, %scan3A_45 : i32
    %scan3A_47 = arith.constant 1 : i32
    %scan3A_48 = scf.for %scan3A_58 = %scan3A_44 to %scan3A_46 step %scan3A_47 iter_args(%scan3A_59 = %scan3A_43) -> (i32)  : i32 {
      %jit3A = arith.constant 2 : i32
      %eq3A = arith.constant 0 : i32
      %eq3A_60 = arith.cmpi eq, %jit3A, %eq3A : i32
      %jit3A_61 = arith.constant 1 : i32
      %select_n3A = arith.select %eq3A_60, %jit3A_61, %jit3A : i32
      %rem3A = arith.remsi %scan3A_58, %select_n3A : i32
      %ne3A = arith.constant 0 : i32
      %ne3A_62 = arith.cmpi ne, %rem3A, %ne3A : i32
      %lt3A = arith.constant 0 : i32
      %lt3A_63 = arith.cmpi slt, %rem3A, %lt3A : i32
      %lt3A_64 = arith.constant 0 : i32
      %lt3A_65 = arith.cmpi slt, %select_n3A, %lt3A_64 : i32
      %ne3A_66 = arith.xori %lt3A_63, %lt3A_65 : i1
      %and3A = arith.andi %ne3A_66, %ne3A_62 : i1
      %add3A_67 = arith.addi %rem3A, %select_n3A : i32
      %select_n3A_68 = arith.select %and3A, %add3A_67, %rem3A : i32
      %eq3A_69 = arith.constant 0 : i32
      %eq3A_70 = arith.cmpi eq, %select_n3A_68, %eq3A_69 : i32
      %convert_element_type3A = arith.extui %eq3A_70 : i1 to i32
      %cond3A = arith.constant 0 : i32
      %cond3A_71 = arith.cmpi ne, %convert_element_type3A, %cond3A : i32
      scf.if %cond3A_71 {
        %dma_wait3A_94 = arith.constant 0 : i32
        %dma_wait3A_95 = tpu.memref_slice %arg3[%dma_wait3A_94, %mul3A_2] : memref<1000x16384xf32, #tpu.memory_space<hbm>> -> memref<40x512xf32, #tpu.memory_space<hbm>>
        %dma_wait3A_96 = arith.constant 0 : i32
        %dma_wait3A_97 = tpu.memref_slice %arg3[%dma_wait3A_96, %mul3A_2] : memref<1000x16384xf32, #tpu.memory_space<hbm>> -> memref<40x512xf32, #tpu.memory_space<hbm>>
        tpu.wait_dma2 semaphore(%arg7 : memref<!tpu.dma_semaphore, #tpu.memory_space<semaphore_mem>>) src(%arg5 : memref<40x512xf32, #tpu.memory_space<vmem>>) dst(%dma_wait3A_97 : memref<40x512xf32, #tpu.memory_space<hbm>>)
        %sub3A = arith.constant 2 : i32
        %sub3A_98 = arith.subi %scan3A_58, %sub3A : i32
        %mul3A_99 = arith.constant 40 : i32
        %mul3A_100 = arith.muli %sub3A_98, %mul3A_99 : i32
        %scan3A_101 = arith.constant 0 : i32
        %scan3A_102 = arith.constant 0 : i32
        %scan3A_103 = arith.constant 32 : i32
        %scan3A_104 = arith.addi %scan3A_102, %scan3A_103 : i32
        %scan3A_105 = arith.constant 1 : i32
        %scan3A_106 = scf.for %scan3A_121 = %scan3A_102 to %scan3A_104 step %scan3A_105 iter_args(%scan3A_122 = %scan3A_101) -> (i32)  : i32 {
          %mul3A_123 = arith.constant 16 : i32
          %mul3A_124 = arith.muli %scan3A_121, %mul3A_123 : i32
          %get3A = arith.index_cast %mul3A_124 : i32 to index
          %get3A_125 = tpu.vector_load %arg4[%get3A] {strides = array<i32>} : memref<512xi32, #tpu.memory_space<vmem>>, vector<16xi32>,
          %sub3A_126 = vector.broadcast %mul3A_100 : i32 to vector<16xi32>
          %sub3A_127 = arith.subi %get3A_125, %sub3A_126 : vector<16xi32>
          %lt3A_128 = arith.constant 40 : i32
          %lt3A_129 = vector.broadcast %lt3A_128 : i32 to vector<16xi32>
          %lt3A_130 = arith.cmpi ult, %sub3A_127, %lt3A_129 : vector<16xi32>
          %min3A = arith.constant 39 : i32
          %min3A_131 = vector.broadcast %min3A : i32 to vector<16xi32>
          %min3A_132 = arith.minui %sub3A_127, %min3A_131 : vector<16xi32>
          %mul3A_133 = arith.constant 16 : i32
          %mul3A_134 = arith.muli %scan3A_121, %mul3A_133 : i32
          %add3A_135 = vector.broadcast %mul3A_134 : i32 to vector<16xi32>
          %add3A_136 = arith.addi %add3A_135, %iota3A : vector<16xi32>
          tpu.vector_store_idx %arg5[%min3A_132, %add3A_136], %broadcast_in_dim3A_4 masked %lt3A_130 : memref<40x512xf32, #tpu.memory_space<vmem>>[vector<16xi32>, vector<16xi32>], vector<16xf32>, vector<16xi1>
          %scan3A_137 = arith.constant 0 : i32
          scf.yield %scan3A_137 : i32
        }
        %scan3A_107 = arith.constant 32 : i32
        %mul3A_108 = arith.constant 40 : i32
        %mul3A_109 = arith.muli %scan3A_58, %mul3A_108 : i32
        %scan3A_110 = arith.constant 0 : i32
        %scan3A_111 = arith.constant 0 : i32
        %scan3A_112 = arith.constant 32 : i32
        %scan3A_113 = arith.addi %scan3A_111, %scan3A_112 : i32
        %scan3A_114 = arith.constant 1 : i32
        %scan3A_115 = scf.for %scan3A_121 = %scan3A_111 to %scan3A_113 step %scan3A_114 iter_args(%scan3A_122 = %scan3A_110) -> (i32)  : i32 {
          %mul3A_123 = arith.constant 16 : i32
          %mul3A_124 = arith.muli %scan3A_121, %mul3A_123 : i32
          %get3A = arith.index_cast %mul3A_124 : i32 to index
          %get3A_125 = tpu.vector_load %arg4[%get3A] {strides = array<i32>} : memref<512xi32, #tpu.memory_space<vmem>>, vector<16xi32>,
          %sub3A_126 = vector.broadcast %mul3A_109 : i32 to vector<16xi32>
          %sub3A_127 = arith.subi %get3A_125, %sub3A_126 : vector<16xi32>
          %lt3A_128 = arith.constant 40 : i32
          %lt3A_129 = vector.broadcast %lt3A_128 : i32 to vector<16xi32>
          %lt3A_130 = arith.cmpi ult, %sub3A_127, %lt3A_129 : vector<16xi32>
          %min3A = arith.constant 39 : i32
          %min3A_131 = vector.broadcast %min3A : i32 to vector<16xi32>
          %min3A_132 = arith.minui %sub3A_127, %min3A_131 : vector<16xi32>
          %mul3A_133 = arith.constant 16 : i32
          %mul3A_134 = arith.muli %scan3A_121, %mul3A_133 : i32
          %add3A_135 = vector.broadcast %mul3A_134 : i32 to vector<16xi32>
          %add3A_136 = arith.addi %add3A_135, %iota3A : vector<16xi32>
          tpu.vector_store_idx %arg5[%min3A_132, %add3A_136], %broadcast_in_dim3A_6 masked %lt3A_130 : memref<40x512xf32, #tpu.memory_space<vmem>>[vector<16xi32>, vector<16xi32>], vector<16xf32>, vector<16xi1>
          %scan3A_137 = arith.constant 0 : i32
          scf.yield %scan3A_137 : i32
        }
        %scan3A_116 = arith.constant 32 : i32
        %mul3A_117 = arith.constant 40 : i32
        %mul3A_118 = arith.muli %scan3A_58, %mul3A_117 : i32
        %dma_start3A_119 = tpu.memref_slice %arg3[%mul3A_118, %mul3A_2] : memref<1000x16384xf32, #tpu.memory_space<hbm>> -> memref<40x512xf32, #tpu.memory_space<hbm>>
        %dma_start3A_120 = tpu.memref_slice %arg3[%mul3A_118, %mul3A_2] : memref<1000x16384xf32, #tpu.memory_space<hbm>> -> memref<40x512xf32, #tpu.memory_space<hbm>>
        tpu.enqueue_dma source(%arg5 : memref<40x512xf32, #tpu.memory_space<vmem>>) target(%dma_start3A_120 : memref<40x512xf32, #tpu.memory_space<hbm>>) target_semaphore(%arg7 : memref<!tpu.dma_semaphore, #tpu.memory_space<semaphore_mem>>)
      } else {
      }
      %jit3A_72 = arith.constant 2 : i32
      %eq3A_73 = arith.constant 0 : i32
      %eq3A_74 = arith.cmpi eq, %jit3A_72, %eq3A_73 : i32
      %jit3A_75 = arith.constant 1 : i32
      %select_n3A_76 = arith.select %eq3A_74, %jit3A_75, %jit3A_72 : i32
      %rem3A_77 = arith.remsi %scan3A_58, %select_n3A_76 : i32
      %ne3A_78 = arith.constant 0 : i32
      %ne3A_79 = arith.cmpi ne, %rem3A_77, %ne3A_78 : i32
      %lt3A_80 = arith.constant 0 : i32
      %lt3A_81 = arith.cmpi slt, %rem3A_77, %lt3A_80 : i32
      %lt3A_82 = arith.constant 0 : i32
      %lt3A_83 = arith.cmpi slt, %select_n3A_76, %lt3A_82 : i32
      %ne3A_84 = arith.xori %lt3A_81, %lt3A_83 : i1
      %and3A_85 = arith.andi %ne3A_84, %ne3A_79 : i1
      %add3A_86 = arith.addi %rem3A_77, %select_n3A_76 : i32
      %select_n3A_87 = arith.select %and3A_85, %add3A_86, %rem3A_77 : i32
      %eq3A_88 = arith.constant 1 : i32
      %eq3A_89 = arith.cmpi eq, %select_n3A_87, %eq3A_88 : i32
      %convert_element_type3A_90 = arith.extui %eq3A_89 : i1 to i32
      %cond3A_91 = arith.constant 0 : i32
      %cond3A_92 = arith.cmpi ne, %convert_element_type3A_90, %cond3A_91 : i32
      scf.if %cond3A_92 {
        %dma_wait3A_94 = arith.constant 0 : i32
        %dma_wait3A_95 = tpu.memref_slice %arg3[%dma_wait3A_94, %mul3A_2] : memref<1000x16384xf32, #tpu.memory_space<hbm>> -> memref<40x512xf32, #tpu.memory_space<hbm>>
        %dma_wait3A_96 = arith.constant 0 : i32
        %dma_wait3A_97 = tpu.memref_slice %arg3[%dma_wait3A_96, %mul3A_2] : memref<1000x16384xf32, #tpu.memory_space<hbm>> -> memref<40x512xf32, #tpu.memory_space<hbm>>
        tpu.wait_dma2 semaphore(%arg8 : memref<!tpu.dma_semaphore, #tpu.memory_space<semaphore_mem>>) src(%arg6 : memref<40x512xf32, #tpu.memory_space<vmem>>) dst(%dma_wait3A_97 : memref<40x512xf32, #tpu.memory_space<hbm>>)
        %sub3A = arith.constant 2 : i32
        %sub3A_98 = arith.subi %scan3A_58, %sub3A : i32
        %mul3A_99 = arith.constant 40 : i32
        %mul3A_100 = arith.muli %sub3A_98, %mul3A_99 : i32
        %scan3A_101 = arith.constant 0 : i32
        %scan3A_102 = arith.constant 0 : i32
        %scan3A_103 = arith.constant 32 : i32
        %scan3A_104 = arith.addi %scan3A_102, %scan3A_103 : i32
        %scan3A_105 = arith.constant 1 : i32
        %scan3A_106 = scf.for %scan3A_121 = %scan3A_102 to %scan3A_104 step %scan3A_105 iter_args(%scan3A_122 = %scan3A_101) -> (i32)  : i32 {
          %mul3A_123 = arith.constant 16 : i32
          %mul3A_124 = arith.muli %scan3A_121, %mul3A_123 : i32
          %get3A = arith.index_cast %mul3A_124 : i32 to index
          %get3A_125 = tpu.vector_load %arg4[%get3A] {strides = array<i32>} : memref<512xi32, #tpu.memory_space<vmem>>, vector<16xi32>,
          %sub3A_126 = vector.broadcast %mul3A_100 : i32 to vector<16xi32>
          %sub3A_127 = arith.subi %get3A_125, %sub3A_126 : vector<16xi32>
          %lt3A_128 = arith.constant 40 : i32
          %lt3A_129 = vector.broadcast %lt3A_128 : i32 to vector<16xi32>
          %lt3A_130 = arith.cmpi ult, %sub3A_127, %lt3A_129 : vector<16xi32>
          %min3A = arith.constant 39 : i32
          %min3A_131 = vector.broadcast %min3A : i32 to vector<16xi32>
          %min3A_132 = arith.minui %sub3A_127, %min3A_131 : vector<16xi32>
          %mul3A_133 = arith.constant 16 : i32
          %mul3A_134 = arith.muli %scan3A_121, %mul3A_133 : i32
          %add3A_135 = vector.broadcast %mul3A_134 : i32 to vector<16xi32>
          %add3A_136 = arith.addi %add3A_135, %iota3A : vector<16xi32>
          tpu.vector_store_idx %arg6[%min3A_132, %add3A_136], %broadcast_in_dim3A_4 masked %lt3A_130 : memref<40x512xf32, #tpu.memory_space<vmem>>[vector<16xi32>, vector<16xi32>], vector<16xf32>, vector<16xi1>
          %scan3A_137 = arith.constant 0 : i32
          scf.yield %scan3A_137 : i32
        }
        %scan3A_107 = arith.constant 32 : i32
        %mul3A_108 = arith.constant 40 : i32
        %mul3A_109 = arith.muli %scan3A_58, %mul3A_108 : i32
        %scan3A_110 = arith.constant 0 : i32
        %scan3A_111 = arith.constant 0 : i32
        %scan3A_112 = arith.constant 32 : i32
        %scan3A_113 = arith.addi %scan3A_111, %scan3A_112 : i32
        %scan3A_114 = arith.constant 1 : i32
        %scan3A_115 = scf.for %scan3A_121 = %scan3A_111 to %scan3A_113 step %scan3A_114 iter_args(%scan3A_122 = %scan3A_110) -> (i32)  : i32 {
          %mul3A_123 = arith.constant 16 : i32
          %mul3A_124 = arith.muli %scan3A_121, %mul3A_123 : i32
          %get3A = arith.index_cast %mul3A_124 : i32 to index
          %get3A_125 = tpu.vector_load %arg4[%get3A] {strides = array<i32>} : memref<512xi32, #tpu.memory_space<vmem>>, vector<16xi32>,
          %sub3A_126 = vector.broadcast %mul3A_109 : i32 to vector<16xi32>
          %sub3A_127 = arith.subi %get3A_125, %sub3A_126 : vector<16xi32>
          %lt3A_128 = arith.constant 40 : i32
          %lt3A_129 = vector.broadcast %lt3A_128 : i32 to vector<16xi32>
          %lt3A_130 = arith.cmpi ult, %sub3A_127, %lt3A_129 : vector<16xi32>
          %min3A = arith.constant 39 : i32
          %min3A_131 = vector.broadcast %min3A : i32 to vector<16xi32>
          %min3A_132 = arith.minui %sub3A_127, %min3A_131 : vector<16xi32>
          %mul3A_133 = arith.constant 16 : i32
          %mul3A_134 = arith.muli %scan3A_121, %mul3A_133 : i32
          %add3A_135 = vector.broadcast %mul3A_134 : i32 to vector<16xi32>
          %add3A_136 = arith.addi %add3A_135, %iota3A : vector<16xi32>
          tpu.vector_store_idx %arg6[%min3A_132, %add3A_136], %broadcast_in_dim3A_6 masked %lt3A_130 : memref<40x512xf32, #tpu.memory_space<vmem>>[vector<16xi32>, vector<16xi32>], vector<16xf32>, vector<16xi1>
          %scan3A_137 = arith.constant 0 : i32
          scf.yield %scan3A_137 : i32
        }
        %scan3A_116 = arith.constant 32 : i32
        %mul3A_117 = arith.constant 40 : i32
        %mul3A_118 = arith.muli %scan3A_58, %mul3A_117 : i32
        %dma_start3A_119 = tpu.memref_slice %arg3[%mul3A_118, %mul3A_2] : memref<1000x16384xf32, #tpu.memory_space<hbm>> -> memref<40x512xf32, #tpu.memory_space<hbm>>
        %dma_start3A_120 = tpu.memref_slice %arg3[%mul3A_118, %mul3A_2] : memref<1000x16384xf32, #tpu.memory_space<hbm>> -> memref<40x512xf32, #tpu.memory_space<hbm>>
        tpu.enqueue_dma source(%arg6 : memref<40x512xf32, #tpu.memory_space<vmem>>) target(%dma_start3A_120 : memref<40x512xf32, #tpu.memory_space<hbm>>) target_semaphore(%arg8 : memref<!tpu.dma_semaphore, #tpu.memory_space<semaphore_mem>>)
      } else {
      }
      %scan3A_93 = arith.constant 0 : i32
      scf.yield %scan3A_93 : i32
    }
    %scan3A_49 = arith.constant 23 : i32
    %dma_wait3A_50 = arith.constant 0 : i32
    %dma_wait3A_51 = tpu.memref_slice %arg3[%dma_wait3A_50, %mul3A_2] : memref<1000x16384xf32, #tpu.memory_space<hbm>> -> memref<40x512xf32, #tpu.memory_space<hbm>>
    %dma_wait3A_52 = arith.constant 0 : i32
    %dma_wait3A_53 = tpu.memref_slice %arg3[%dma_wait3A_52, %mul3A_2] : memref<1000x16384xf32, #tpu.memory_space<hbm>> -> memref<40x512xf32, #tpu.memory_space<hbm>>
    tpu.wait_dma2 semaphore(%arg7 : memref<!tpu.dma_semaphore, #tpu.memory_space<semaphore_mem>>) src(%arg5 : memref<40x512xf32, #tpu.memory_space<vmem>>) dst(%dma_wait3A_53 : memref<40x512xf32, #tpu.memory_space<hbm>>)
    %dma_wait3A_54 = arith.constant 0 : i32
    %dma_wait3A_55 = tpu.memref_slice %arg3[%dma_wait3A_54, %mul3A_2] : memref<1000x16384xf32, #tpu.memory_space<hbm>> -> memref<40x512xf32, #tpu.memory_space<hbm>>
    %dma_wait3A_56 = arith.constant 0 : i32
    %dma_wait3A_57 = tpu.memref_slice %arg3[%dma_wait3A_56, %mul3A_2] : memref<1000x16384xf32, #tpu.memory_space<hbm>> -> memref<40x512xf32, #tpu.memory_space<hbm>>
    tpu.wait_dma2 semaphore(%arg8 : memref<!tpu.dma_semaphore, #tpu.memory_space<semaphore_mem>>) src(%arg6 : memref<40x512xf32, #tpu.memory_space<vmem>>) dst(%dma_wait3A_57 : memref<40x512xf32, #tpu.memory_space<hbm>>)
    return
  }
}

</mosaic_0001>

<sc_bundles>
// kernel: kernel.3.cloned.1.call-start
scs
__scs_entry_jumppad:
0x0: {  	(pc) =	sbr.rel $0x88, $3  }
0x1: {  	(tag) =	ssettag $0x0;
	lr =	simm.s32 $0x1  }
0x2: {  	[smem:$0x3FA0] =	sst lr;
	_ =	strace $0xD0000000  }
0x3: {  	_ = 	snop  }
0x4: {  	_ = 	snop  }
0x5: {  	_ = 	snop  }
0x6: {  	_ = 	snop  }
0x7: {  	_ = 	snop  }
__scs_overlays_trampoline_lowered:
0x8: {  	[smem:$0x3FAF] =	sst s0  }
0x9: {  	[smem:$0x3FB0] =	sst s1  }
0xa: {  	[smem:$0x3FB1] =	sst s2  }
0xb: {  	[smem:$0x3FB2] =	sst s3  }
0xc: {  	[smem:$0x3FB3] =	sst s4  }
0xd: {  	[smem:$0x3FB4] =	sst s5  }
0xe: {  	[smem:$0x3FB5] =	sst s6  }
0xf: {  	[smem:$0x3FB6] =	sst s7  }
0x10: {  	[smem:$0x3FB7] =	sst s8  }
0x11: {  	[smem:$0x3FB8] =	sst s9;
	s0 =	simm.s32 @!p0 $0x0  }
0x12: {  	s1 =	sld [smem:$0x3F9E];
	s0 =	simm.s32 @p0 $0x1  }
0x13: {  	[smem:$0x3FB9] =	sst s0;
	s0 =	simm.s32 @!p1 $0x0  }
0x14: {  	s2 =	sld [smem:$0x3F9D];
	s0 =	simm.s32 @p1 $0x1  }
0x15: {  	[smem:$0x3FBA] =	sst s0;
	s0 =	simm.s32 @!p2 $0x0  }
0x16: {  	s3 =	sld [smem:$0x3FDB];
	s0 =	simm.s32 @p2 $0x1  }
0x17: {  	s4 =	simm.s32 $0x1BF5;
	[smem:$0x3FBC] =	sst s0  }
0x18: {  	s0 =	sld [smem:$0x3F9F];
	_ =	swait.ge [sflag:s4], $0x0  }
0x19: {  	s7 =	sld [smem:$0x3FA0]  }
0x1a: {  	s8 =	sadd.s32 $0xFFFFE003, lr  }
0x1b: {  	s9 =	sadd.s32 $0xFFFFFEF7, lr;
	s5 =	simm.s32 $0xFFFFFFFF;
	p2 =	slt.u32 s8, $0xFFFFF086  }
0x1c: {  	p1 =	slt.u32 s9, $0xF7A;
	s5 =	simm.s32 @!p2 $0x0  }
0x1d: {  	s5 =	simm.s32 @p1 $0x1;
	p0 =	seq.s32 s7, s2  }
0x1e: {  	s7 =	smul.u32 @!p0 $0xF7A, s2;
	p2 =	seq.s32 @!p0 s5, $0x0  }
0x1f: {  	s9 =	smul.u32 $0xF7A, s1;
	s8 =	simm.s32 @!p0 $0x1BF5;
	p2 =	por !p2, p0  }
0x20: {  	[sflag:s8] =	ssyncset.s32 @!p0 $0xFFFFF086;
	s6 =	sadd.s32 @!p0 s3, s7;
	s7 =	simm.s32 @!p0 $0x108  }
0x21: {  	s3 =	sadd.s32 s3, s9;
	s6 =	sadd.s32 @!p0 $0x88, s6;
	s7 =	simm.s32 @p2 $0x1082  }
0x22: {  	[simem:s7], [sflag:s8] =	dma.local @!p0 [hbm:s6], $0xF7A  }
0x23: {  	s9 =	sor.u32 $0xD0000000, s2;
	s6 =	simm.s32 $0x108;
	_ =	swait.ge @!p0 [sflag:s8], $0x0  }
0x24: {  	s3 =	sadd.s32 $0x88, s3;
	s6 =	simm.s32 @!p1 $0x1082;
	[sflag:s4] =	ssyncset.s32 $0xFFFFF086  }
0x25: {  	[simem:s6], [sflag:s4] =	dma.local [hbm:s3], $0xF7A  }
0x26: {  	[smem:$0x3FA0] =	sst s1;
	(tag) =	ssettag s2;
	_ =	strace s9  }
0x27: {  	s1 =	sld [smem:$0x3FB0]  }
0x28: {  	s2 =	sld [smem:$0x3FB1]  }
0x29: {  	s4 =	sld [smem:$0x3FB3]  }
0x2a: {  	p0 =	seq.s32 s5, $0x0;
	s5 =	sld [smem:$0x3FB4]  }
0x2b: {  	s6 =	sld [smem:$0x3FB5]  }
0x2c: {  	s7 =	sld [smem:$0x3FB6]  }
0x2d: {  	s3 =	simm.s32 $0x108;
	s8 =	sld [smem:$0x3FB7]  }
0x2e: {  	s3 =	simm.s32 @!p0 $0x1082;
	s9 =	sld [smem:$0x3FB8]  }
0x2f: {  	lr =	sadd.s32 s0, s3;
	s0 =	sld [smem:$0x3FAF]  }
0x30: {  	s3 =	sld [smem:$0x3FB2]  }
0x31: {  	[smem:$0x3FBB] =	sst s10  }
0x32: {  	s10 =	sld [smem:$0x3FB9];
	_ =	sdelay $0x3  }
0x33: {  	p0 =	seq.s32 s10, $0x1;
	s10 =	sld [smem:$0x3FBB];
	_ =	sdelay $0x3  }
0x34: {  	[smem:$0x3FBB] =	sst s10  }
0x35: {  	s10 =	sld [smem:$0x3FBA];
	_ =	sdelay $0x3  }
0x36: {  	p1 =	seq.s32 s10, $0x1;
	s10 =	sld [smem:$0x3FBB];
	_ =	sdelay $0x3  }
0x37: {  	[smem:$0x3FBB] =	sst s10  }
0x38: {  	s10 =	sld [smem:$0x3FBC]  }
0x39: {  	_ = 	snop;
	(pc) =	sbr.ind lr, $3  }
0x3a: {  	_ = 	snop  }
0x3b: {  	_ = 	snop  }
0x3c: {  	p2 =	seq.s32 s10, $0x1;
	s10 =	sld [smem:$0x3FBB]  }
0x3d: {  	_ =	shalt  }
0x3e: {  	_ =	shalt  }
0x3f: {  	_ =	shalt  }
0x40: {  	_ =	shalt  }
0x41: {  	_ =	shalt  }
0x42: {  	_ =	shalt  }
0x43: {  	_ =	shalt  }
0x44: {  	_ =	shalt  }
0x45: {  	_ =	shalt  }
0x46: {  	_ =	shalt  }
0x47: {  	_ =	shalt  }
0x48: {  	_ =	shalt  }
0x49: {  	_ =	shalt  }
0x4a: {  	_ =	shalt  }
0x4b: {  	_ =	shalt  }
0x4c: {  	_ =	shalt  }
0x4d: {  	_ =	shalt  }
0x4e: {  	_ =	shalt  }
0x4f: {  	_ =	shalt  }
0x50: {  	_ =	shalt  }
0x51: {  	_ =	shalt  }
0x52: {  	_ =	shalt  }
0x53: {  	_ =	shalt  }
0x54: {  	_ =	shalt  }
0x55: {  	_ =	shalt  }
0x56: {  	_ =	shalt  }
0x57: {  	_ =	shalt  }
0x58: {  	_ =	shalt  }
0x59: {  	_ =	shalt  }
0x5a: {  	_ =	shalt  }
0x5b: {  	_ =	shalt  }
0x5c: {  	_ =	shalt  }
0x5d: {  	_ =	shalt  }
0x5e: {  	_ =	shalt  }
0x5f: {  	_ =	shalt  }
0x60: {  	_ =	shalt  }
0x61: {  	_ =	shalt  }
0x62: {  	_ =	shalt  }
0x63: {  	_ =	shalt  }
0x64: {  	_ =	shalt  }
0x65: {  	_ =	shalt  }
0x66: {  	_ =	shalt  }
0x67: {  	_ =	shalt  }
0x68: {  	_ =	shalt  }
0x69: {  	_ =	shalt  }
0x6a: {  	_ =	shalt  }
0x6b: {  	_ =	shalt  }
0x6c: {  	_ =	shalt  }
0x6d: {  	_ =	shalt  }
0x6e: {  	_ =	shalt  }
0x6f: {  	_ =	shalt  }
0x70: {  	_ =	shalt  }
0x71: {  	_ =	shalt  }
0x72: {  	_ =	shalt  }
0x73: {  	_ =	shalt  }
0x74: {  	_ =	shalt  }
0x75: {  	_ =	shalt  }
0x76: {  	_ =	shalt  }
0x77: {  	_ =	shalt  }
0x78: {  	_ =	shalt  }
0x79: {  	_ =	shalt  }
0x7a: {  	_ =	shalt  }
0x7b: {  	_ =	shalt  }
0x7c: {  	_ =	shalt  }
0x7d: {  	_ =	shalt  }
0x7e: {  	_ =	shalt  }
0x7f: {  	_ =	shalt  }
0x80: {  	_ =	shalt  }
0x81: {  	_ =	shalt  }
0x82: {  	_ =	shalt  }
0x83: {  	_ =	shalt  }
0x84: {  	_ =	shalt  }
0x85: {  	_ =	shalt  }
0x86: {  	_ =	shalt  }
0x87: {  	_ =	shalt  }
.Lfunc_end0:
.L_simem_size_0:
called_computation_lowered:
.L_overlay_start_0:
0x88: {  	s2 =	sld [smem:$0x3FD9]  }
0x89: {  	s3 =	sld [smem:$0x3FFE];
	_ =	sdelay $0x1  }
0x8a: {  	s1 =	srdreg.scid  }
0x8b: {  	s0 =	sand.u32 $0x1, s1  }
0x8c: {  	s18 =	sshll.u32 s0, $0xA;
	s2 =	sadd.s32 s3, s2  }
0x8d: {  	s2 =	sadd.s32 s2, s18  }
0x8e: {  	[smem:$0x3FC7] =	sst s2  }
0x8f: {  	_ = 	snop  }
0x90: {  	s2 =	sld [smem:$0x3FC9]  }
0x91: {  	s19 =	sld [smem:$0x3FD0];
	(tm) =	ssettm $0x1  }
0x92: {  	s4 =	sld [smem:$0x3FFB];
	_ =	sdelay $0x3  }
0x93: {  	_ =	strace s4  }
0x94: {  	s4 =	sld [smem:$0x3FFC];
	_ =	sdelay $0x3  }
0x95: {  	_ =	strace s4  }
0x96: {  	s4 =	sld [smem:$0x3FFD];
	_ =	sdelay $0x3  }
0x97: {  	_ =	strace s4  }
0x98: {  	_ =	strace $0x8FFFFFFF  }
0x99: {  	s20 =	sld [smem:$0x3FDB];
	_ =	sdelay $0x1  }
0x9a: {  	s5 =	simm.s32 $_scs_section_size  }
0x9b: {  	s6 =	simm.s32 $_size__tile_overlayer_lowered;
	s7 =	simm.s32 $_tile_overlayer_lowered  }
0x9c: {  	s23 =	simm.s32 $0x1BFF;
	s22 =	sshll.u32 s7, $0x1;
	s4 =	sadd.s32 s5, s20  }
0x9d: {  	s8 =	simm.s32 $0x0;
	s21 =	sshll.u32 s6, $0x1;
	s6 =	sadd.s32 s22, s4  }
0x9e: {  	[timem:s8], [sflag:s23] =	dma.local [hbm:s6], s21  }
0x9f: {  	_ =	swait.ge [sflag:s23], s21  }
0xa0: {  	s5 =	ssub.s32 $0x0, s21;
	[sflag:s23] =	ssyncset.done $0x0  }
0xa1: {  	[sflag:s23] =	ssyncadd.s32 s5;
	_ =	sdelay $0x1  }
0xa2: {  	s24 =	simm.s32 $0x1B8B  }
0xa3: {  	_ =	swait.ge [sflag:s24], $0x1  }
0xa4: {  	[sflag:s24] =	ssyncset.done $0x0  }
0xa5: {  	s25 =	simm.s32 $0x1B8E;
	[sflag:s24] =	ssyncadd.s32 $0xFFFFFFFF  }
0xa6: {  	s26 =	simm.s32 $execute0_lowered;
	[smem:$0x3FD2] =	sst s25  }
0xa7: {  	s5 =	sshll.u32 s26, $0x1;
	_ =	strace $0x80000046;
	[dreg:$0x1] =	wrdreg $0xFFFFFFFF  }
0xa8: {  	s28 =	simm.s32 $_size_execute0_lowered;
	s4 =	sadd.s32 s4, s5;
	[dreg:$0x0] =	wrdreg $0x0  }
0xa9: {  	s5 =	sshll.u32 s28, $0x1;
	[dreg:$0x2] =	wrdreg s4  }
0xaa: {  	[dreg:$0x3] =	wrdreg s5  }
0xab: {  	[dreg:$0x4] =	wrdreg $0xC0  }
0xac: {  	_ =	task [dreg:s8], $0x5FFFF  }
0xad: {  	[dreg:$0x1] =	wrdreg $0xFFFFFFFF  }
0xae: {  	[dreg:$0x0] =	wrdreg $0x60  }
0xaf: {  	[dreg:$0x2] =	wrdreg s2  }
0xb0: {  	[dreg:$0x3] =	wrdreg s19  }
0xb1: {  	[dreg:$0x4] =	wrdreg $0x9  }
0xb2: {  	_ =	task.clear_ibuf [dreg:s8], $0x5FFFF;
	_ =	strace $0x90000046  }
0xb3: {  	s29 =	simm.s32 $0x9;
	_ =	strace $0x80000048  }
0xb4: {  	_ =	swait.ge [sflag:s29], $0x1  }
0xb5: {  	[sflag:s29] =	ssyncadd.s32 $0xFFFFFFFF  }
0xb6: {  	_ =	strace $0x90000048  }
0xb7: {  	_ =	sfence  }
0xb8: {  	s30 =	sld [smem:$0x0];
	_ =	sdelay $0x2  }
0xb9: {  	s31 =	sshll.u32 s1, $0xD;
	s1 =	sshrl.u32 s1, $0x2  }
0xba: {  	s3 =	sand.u32 $0x4000, s31;
	s1 =	sadd.s32 s1, s30  }
0xbb: {  	s0 =	sor.u32 s3, s0;
	s1 =	sshll.u32 s1, $0x11  }
0xbc: {  	s0 =	sor.u32 s1, s0  }
0xbd: {  	s0 =	sadd.s32 $0x8F2B, s0  }
0xbe: {  	[sflag:s0] =	ssyncadd.remote.s32 $0x1  }
0xbf: {  	_ =	sfence.sel $0xFFFF  }
0xc0: {  	[dreg:$0x0] =	wrdreg $0xFFFFFFFF;
	(pc) =	sbr.abs _section_cstart, $3  }
0xc1: {  	[dreg:$0x1] =	wrdreg $0xFFFFFFFF  }
0xc2: {  	_ =	task.clear_ibuf [dreg:s8], $0x2FFFF;
	_ =	strace $0x9FFFFFFF  }
0xc3: {  	(tm) =	ssettm $0x7FFFFFFF  }
tec
execute0_lowered:
.L_overlay_start_1:
0x0: {  	(tag) =	ssettag $0x1  }
0x1: {  	s3 =	rddreg [dreg:$0x0]  }
0x2: {  	s4 =	rddreg [dreg:$0x1]  }
0x3: {  	s2 =	srdreg.scid;
	s0 =	rddreg [dreg:$0x2]  }
0x4: {  	s1 =	stileid.u32;
	s9 =	simm.s32 $0x1000;
	s10 =	simm.s32 $0x20000  }
0x5: {  	s11 =	simm.s32 $0x5200;
	s12 =	simm.s32 $0x2;
	s13 =	simm.s32 $0x0  }
0x6: {  	s5 =	sand.u32 $0x1, s2;
	s2 =	simm.s32 $0x0;
	s6 =	sshll.u32 s1, $0xA  }
.Ltmp0:
0x7: {  	s7 =	sshll.u32 s5, $0x9;
	[smem:$0x7FF] =	sst s2;
	(pc) =	sbr.rel .LBB2_1-.Ltmp0, $4  }
0x8: {  	s5 =	ssub.s32 $0x2, s5;
	s6 =	sor.u32 s7, s6;
	_ =	strace $0x80000047  }
0x9: {  	s31 =	sshrl.u32 s5, $0x1;
	s8 =	sshrl.u32 s6, $0x3;
	s4 =	sadd.s32 s4, s6  }
0xa: {  	s7 =	ssub.s32 s5, s31;
	s3 =	sadd.s32 s3, s8;
	s5 =	sadd.s32 $0x14000, s4  }
0xb: {  	v0 =	vimm.f32 $0.0e+00;
	v1 =	vlaneseq.u32;
	v2 =	vimm.f32 $1.000000000e+00;
	s6 =	smax.u32 s7, $0x1;
	s7 =	simm.s32 $0x1;
	s8 =	simm.s32 $0x200  }
.LBB2_23:
0xc: {  	s13 =	sadd.s32 $0x1, s13  }
0xd: {  	_ =	swait.ge [sflag:s7], $0x5000;
	p0 =	sne.s32 s13, s6  }
.Ltmp1:
0xe: {  	[sflag:s7] =	ssyncset.done $0x0;
	(pc) =	sbr.rel @!p0 .LBB2_24-.Ltmp1, $4  }
0xf: {  	[sflag:s7] =	ssyncadd.s32 $0xFFFFB000  }
0x10: {  	_ =	swait.ge [sflag:s12], $0x5000  }
0x11: {  	[sflag:s12] =	ssyncset.done $0x0  }
0x12: {  	[sflag:s12] =	ssyncadd.s32 $0xFFFFB000  }
.LBB2_1:
0x13: {  	[tilespmem:s2], [sflag:$0x1] =	stream.linear.gather [hbm4b:s3+s2], $0x200, $0x38;
	[tilespmem:$0xA200] =	vst v63  }
0x14: {  	s14 =	sand.u32 $0x7000, s2;
	s15 =	sand.u32 $0x380, s2  }
0x15: {  	s14 =	sor.u32 s15, s14  }
0x16: {  	[tilespmem:s14+$0xE70] =	vst v0  }
0x17: {  	[tilespmem:s14+$0x200] =	vst v0  }
0x18: {  	[tilespmem:s14+$0x210] =	vst v0  }
0x19: {  	[tilespmem:s14+$0x220] =	vst v0  }
0x1a: {  	[tilespmem:s14+$0x230] =	vst v0  }
0x1b: {  	[tilespmem:s14+$0x240] =	vst v0  }
0x1c: {  	[tilespmem:s14+$0x250] =	vst v0  }
0x1d: {  	[tilespmem:s14+$0x260] =	vst v0  }
0x1e: {  	[tilespmem:s14+$0x270] =	vst v0  }
0x1f: {  	[tilespmem:s14+$0x600] =	vst v0  }
0x20: {  	[tilespmem:s14+$0x610] =	vst v0  }
0x21: {  	[tilespmem:s14+$0x620] =	vst v0  }
0x22: {  	[tilespmem:s14+$0x630] =	vst v0  }
0x23: {  	[tilespmem:s14+$0x640] =	vst v0  }
0x24: {  	[tilespmem:s14+$0x650] =	vst v0  }
0x25: {  	[tilespmem:s14+$0x660] =	vst v0  }
0x26: {  	[tilespmem:s14+$0x670] =	vst v0  }
0x27: {  	[tilespmem:s14+$0xA00] =	vst v0  }
0x28: {  	[tilespmem:s14+$0xA10] =	vst v0  }
0x29: {  	[tilespmem:s14+$0xA20] =	vst v0  }
0x2a: {  	[tilespmem:s14+$0xA30] =	vst v0  }
0x2b: {  	[tilespmem:s14+$0xA40] =	vst v0  }
0x2c: {  	[tilespmem:s14+$0xA50] =	vst v0  }
0x2d: {  	[tilespmem:s14+$0xA60] =	vst v0  }
0x2e: {  	[tilespmem:s14+$0xA70] =	vst v0  }
0x2f: {  	[tilespmem:s14+$0xE00] =	vst v0  }
0x30: {  	[tilespmem:s14+$0xE10] =	vst v0  }
0x31: {  	[tilespmem:s14+$0xE20] =	vst v0  }
0x32: {  	[tilespmem:s14+$0xE30] =	vst v0  }
0x33: {  	s16 =	simm.s32 $0x200;
	s15 =	simm.s32 $0x80;
	[tilespmem:s14+$0xE40] =	vst v0  }
0x34: {  	s17 =	sand.u32 $0x7000, s16;
	s16 =	simm.s32 $0x400;
	s18 =	sand.u32 $0x380, s15;
	[tilespmem:s14+$0xE50] =	vst v0  }
.LBB2_2:
0x35: {  	p0 =	sne.s32 s16, $0x4E00;
	[tilespmem:s14+$0xE60] =	vst v0;
	s14 =	sor.u32 s18, s17  }
0x36: {  	[tilespmem:s14+$0xE70] =	vst v0  }
0x37: {  	[tilespmem:s14+$0x200] =	vst v0  }
0x38: {  	[tilespmem:s14+$0x210] =	vst v0  }
0x39: {  	[tilespmem:s14+$0x220] =	vst v0  }
0x3a: {  	[tilespmem:s14+$0x230] =	vst v0  }
0x3b: {  	[tilespmem:s14+$0x240] =	vst v0  }
0x3c: {  	[tilespmem:s14+$0x250] =	vst v0  }
0x3d: {  	[tilespmem:s14+$0x260] =	vst v0  }
0x3e: {  	[tilespmem:s14+$0x270] =	vst v0  }
0x3f: {  	[tilespmem:s14+$0x600] =	vst v0  }
0x40: {  	[tilespmem:s14+$0x610] =	vst v0  }
0x41: {  	[tilespmem:s14+$0x620] =	vst v0  }
0x42: {  	[tilespmem:s14+$0x630] =	vst v0  }
0x43: {  	[tilespmem:s14+$0x640] =	vst v0  }
0x44: {  	[tilespmem:s14+$0x650] =	vst v0  }
0x45: {  	[tilespmem:s14+$0x660] =	vst v0  }
0x46: {  	[tilespmem:s14+$0x670] =	vst v0  }
0x47: {  	[tilespmem:s14+$0xA00] =	vst v0  }
0x48: {  	[tilespmem:s14+$0xA10] =	vst v0  }
0x49: {  	[tilespmem:s14+$0xA20] =	vst v0  }
0x4a: {  	[tilespmem:s14+$0xA30] =	vst v0  }
0x4b: {  	[tilespmem:s14+$0xA40] =	vst v0  }
0x4c: {  	[tilespmem:s14+$0xA50] =	vst v0  }
0x4d: {  	[tilespmem:s14+$0xA60] =	vst v0  }
0x4e: {  	[tilespmem:s14+$0xA70] =	vst v0  }
0x4f: {  	[tilespmem:s14+$0xE00] =	vst v0  }
.Ltmp2:
0x50: {  	[tilespmem:s14+$0xE10] =	vst v0;
	(pc) =	sbr.rel @p0 .LBB2_2-.Ltmp2, $4  }
0x51: {  	[tilespmem:s14+$0xE20] =	vst v0  }
0x52: {  	[tilespmem:s14+$0xE30] =	vst v0  }
0x53: {  	s15 =	sadd.s32 $0x80, s15;
	[tilespmem:s14+$0xE40] =	vst v0  }
0x54: {  	s17 =	sand.u32 $0x7000, s16;
	s16 =	sadd.s32 $0x200, s16;
	s18 =	sand.u32 $0x380, s15;
	[tilespmem:s14+$0xE50] =	vst v0  }
0x55: {  	s15 =	sor.u32 s18, s17;
	[tilespmem:s14+$0xE60] =	vst v0  }
0x56: {  	[tilespmem:s15+$0xE70] =	vst v0  }
0x57: {  	[tilespmem:s15+$0x200] =	vst v0  }
0x58: {  	[tilespmem:s15+$0x210] =	vst v0  }
0x59: {  	[tilespmem:s15+$0x220] =	vst v0  }
0x5a: {  	[tilespmem:s15+$0x230] =	vst v0  }
0x5b: {  	[tilespmem:s15+$0x240] =	vst v0  }
0x5c: {  	[tilespmem:s15+$0x250] =	vst v0  }
0x5d: {  	[tilespmem:s15+$0x260] =	vst v0  }
0x5e: {  	[tilespmem:s15+$0x270] =	vst v0  }
0x5f: {  	[tilespmem:s15+$0x600] =	vst v0  }
0x60: {  	[tilespmem:s15+$0x610] =	vst v0  }
0x61: {  	[tilespmem:s15+$0x620] =	vst v0  }
0x62: {  	[tilespmem:s15+$0x630] =	vst v0  }
0x63: {  	[tilespmem:s15+$0x640] =	vst v0  }
0x64: {  	[tilespmem:s15+$0x650] =	vst v0  }
0x65: {  	[tilespmem:s15+$0x660] =	vst v0  }
0x66: {  	[tilespmem:s15+$0x670] =	vst v0  }
0x67: {  	[tilespmem:s15+$0xA00] =	vst v0  }
0x68: {  	[tilespmem:s15+$0xA10] =	vst v0  }
0x69: {  	[tilespmem:s15+$0xA20] =	vst v0  }
0x6a: {  	[tilespmem:s15+$0xA30] =	vst v0  }
0x6b: {  	[tilespmem:s15+$0xA40] =	vst v0  }
0x6c: {  	[tilespmem:s15+$0xA50] =	vst v0  }
0x6d: {  	[tilespmem:s15+$0xA60] =	vst v0  }
0x6e: {  	[tilespmem:s15+$0xA70] =	vst v0  }
0x6f: {  	[tilespmem:s15+$0xE00] =	vst v0  }
0x70: {  	[tilespmem:s15+$0xE10] =	vst v0  }
0x71: {  	[tilespmem:s15+$0xE20] =	vst v0  }
0x72: {  	[tilespmem:s15+$0xE30] =	vst v0  }
0x73: {  	[tilespmem:s15+$0xE40] =	vst v0  }
0x74: {  	[tilespmem:s15+$0xE50] =	vst v0  }
0x75: {  	[tilespmem:s15+$0xE60] =	vst v0  }
0x76: {  	_ =	swait.ge [sflag:s7], $0x200  }
0x77: {  	[sflag:s7] =	ssyncset.done $0x0  }
0x78: {  	s14 =	simm.s32 $0x0;
	[sflag:s7] =	ssyncadd.s32 $0xFFFFFE00  }
0x79: {  	s16 =	simm.s32 $0x0;
	s15 =	simm.s32 $0x10;
	v3 =	vld [tilespmem:s14+$0x0]  }
.LBB2_4:
0x7a: {  	p0 =	sne.s32 s15, $0x1F0;
	_ =	sdelay $0x2  }
0x7b: {  	v4 =	vmov s14  }
0x7c: {  	v6 =	vor.u32 s14, v1;
	s14 =	smov.u32 s15;
	v4 =	vshll.u32 v4, $0x3;
	v5 =	vmin.u32 v3, $0x27  }
0x7d: {  	v6 =	vand.u32 $0x7F, v6;
	v4 =	vand.u32 $0xC00, v4;
	v7 =	vshll.u32 v5, $0x9  }
0x7e: {  	v4 =	vor.u32 v4, v6;
	v5 =	vshll.u32 v5, $0x7;
	v7 =	vand.u32 $0x7000, v7  }
0x7f: {  	vm0 =	vlt.u32 v3, $0x28;
	v3 =	vand.u32 $0x380, v5;
	v4 =	vor.u32 v7, v4  }
0x80: {  	v3 =	vor.u32 v3, v4;
	_ =	sdelay $0x1  }
.Ltmp3:
0x81: {  	(pc) =	sbr.rel @p0 .LBB2_4-.Ltmp3, $3  }
0x82: {  	_ =	sdelay $0x1  }
0x83: {  	s16 =	sadd.s32 $0x10, s16;
	[tilespmem:v3+s8+$0x0] =	vst.idx.msk vm0, v2  }
0x84: {  	s15 =	sadd.s32 $0x10, s15;
	v3 =	vld [tilespmem:s16+$0x0]  }
0x85: {  	_ =	sdelay $0x2  }
0x86: {  	v4 =	vmov s14  }
0x87: {  	v6 =	vor.u32 s14, v1;
	v4 =	vshll.u32 v4, $0x3;
	v5 =	vmin.u32 v3, $0x27  }
0x88: {  	v6 =	vand.u32 $0x7F, v6;
	v4 =	vand.u32 $0xC00, v4;
	v7 =	vshll.u32 v5, $0x9  }
0x89: {  	v4 =	vor.u32 v4, v6;
	v5 =	vshll.u32 v5, $0x7;
	v7 =	vand.u32 $0x7000, v7  }
0x8a: {  	vm0 =	vlt.u32 v3, $0x28;
	v3 =	vand.u32 $0x380, v5;
	v4 =	vor.u32 v7, v4  }
0x8b: {  	v3 =	vor.u32 v3, v4;
	_ =	sdelay $0x2  }
0x8c: {  	s14 =	simm.s32 $0x0  }
0x8d: {  	s15 =	sand.u32 $0x7000, s14;
	s16 =	sand.u32 $0x380, s14  }
0x8e: {  	s15 =	sor.u32 s16, s15;
	[tilespmem:v3+s8+$0x0] =	vst.idx.msk vm0, v2  }
0x8f: {  	[hbm4b:s4+s9] =	stream.strided.scatter [tilespmem:s8], [sflag:$0x1], $0x5000, s10, s9, $0x38;
	[tilespmem:$0xA200] =	vst v63  }
0x90: {  	[tilespmem:s15+$0x5E70] =	vst v0  }
0x91: {  	[tilespmem:s15+$0x5200] =	vst v0  }
0x92: {  	[tilespmem:s15+$0x5210] =	vst v0  }
0x93: {  	[tilespmem:s15+$0x5220] =	vst v0  }
0x94: {  	[tilespmem:s15+$0x5230] =	vst v0  }
0x95: {  	[tilespmem:s15+$0x5240] =	vst v0  }
0x96: {  	[tilespmem:s15+$0x5250] =	vst v0  }
0x97: {  	[tilespmem:s15+$0x5260] =	vst v0  }
0x98: {  	[tilespmem:s15+$0x5270] =	vst v0  }
0x99: {  	[tilespmem:s15+$0x5600] =	vst v0  }
0x9a: {  	[tilespmem:s15+$0x5610] =	vst v0  }
0x9b: {  	[tilespmem:s15+$0x5620] =	vst v0  }
0x9c: {  	[tilespmem:s15+$0x5630] =	vst v0  }
0x9d: {  	[tilespmem:s15+$0x5640] =	vst v0  }
0x9e: {  	[tilespmem:s15+$0x5650] =	vst v0  }
0x9f: {  	[tilespmem:s15+$0x5660] =	vst v0  }
0xa0: {  	[tilespmem:s15+$0x5670] =	vst v0  }
0xa1: {  	[tilespmem:s15+$0x5A00] =	vst v0  }
0xa2: {  	[tilespmem:s15+$0x5A10] =	vst v0  }
0xa3: {  	[tilespmem:s15+$0x5A20] =	vst v0  }
0xa4: {  	[tilespmem:s15+$0x5A30] =	vst v0  }
0xa5: {  	[tilespmem:s15+$0x5A40] =	vst v0  }
0xa6: {  	[tilespmem:s15+$0x5A50] =	vst v0  }
0xa7: {  	[tilespmem:s15+$0x5A60] =	vst v0  }
0xa8: {  	[tilespmem:s15+$0x5A70] =	vst v0  }
0xa9: {  	[tilespmem:s15+$0x5E00] =	vst v0  }
0xaa: {  	[tilespmem:s15+$0x5E10] =	vst v0  }
0xab: {  	[tilespmem:s15+$0x5E20] =	vst v0  }
0xac: {  	[tilespmem:s15+$0x5E30] =	vst v0  }
0xad: {  	s17 =	simm.s32 $0x200;
	s16 =	simm.s32 $0x80;
	[tilespmem:s15+$0x5E40] =	vst v0  }
0xae: {  	s18 =	sand.u32 $0x7000, s17;
	s17 =	simm.s32 $0x400;
	s19 =	sand.u32 $0x380, s16;
	[tilespmem:s15+$0x5E50] =	vst v0  }
.LBB2_6:
0xaf: {  	p0 =	sne.s32 s17, $0x4E00;
	[tilespmem:s15+$0x5E60] =	vst v0;
	s15 =	sor.u32 s19, s18  }
0xb0: {  	[tilespmem:s15+$0x5E70] =	vst v0  }
0xb1: {  	[tilespmem:s15+$0x5200] =	vst v0  }
0xb2: {  	[tilespmem:s15+$0x5210] =	vst v0  }
0xb3: {  	[tilespmem:s15+$0x5220] =	vst v0  }
0xb4: {  	[tilespmem:s15+$0x5230] =	vst v0  }
0xb5: {  	[tilespmem:s15+$0x5240] =	vst v0  }
0xb6: {  	[tilespmem:s15+$0x5250] =	vst v0  }
0xb7: {  	[tilespmem:s15+$0x5260] =	vst v0  }
0xb8: {  	[tilespmem:s15+$0x5270] =	vst v0  }
0xb9: {  	[tilespmem:s15+$0x5600] =	vst v0  }
0xba: {  	[tilespmem:s15+$0x5610] =	vst v0  }
0xbb: {  	[tilespmem:s15+$0x5620] =	vst v0  }
0xbc: {  	[tilespmem:s15+$0x5630] =	vst v0  }
0xbd: {  	[tilespmem:s15+$0x5640] =	vst v0  }
0xbe: {  	[tilespmem:s15+$0x5650] =	vst v0  }
0xbf: {  	[tilespmem:s15+$0x5660] =	vst v0  }
0xc0: {  	[tilespmem:s15+$0x5670] =	vst v0  }
0xc1: {  	[tilespmem:s15+$0x5A00] =	vst v0  }
0xc2: {  	[tilespmem:s15+$0x5A10] =	vst v0  }
0xc3: {  	[tilespmem:s15+$0x5A20] =	vst v0  }
0xc4: {  	[tilespmem:s15+$0x5A30] =	vst v0  }
0xc5: {  	[tilespmem:s15+$0x5A40] =	vst v0  }
0xc6: {  	[tilespmem:s15+$0x5A50] =	vst v0  }
0xc7: {  	[tilespmem:s15+$0x5A60] =	vst v0  }
0xc8: {  	[tilespmem:s15+$0x5A70] =	vst v0  }
0xc9: {  	[tilespmem:s15+$0x5E00] =	vst v0  }
.Ltmp4:
0xca: {  	[tilespmem:s15+$0x5E10] =	vst v0;
	(pc) =	sbr.rel @p0 .LBB2_6-.Ltmp4, $4  }
0xcb: {  	[tilespmem:s15+$0x5E20] =	vst v0  }
0xcc: {  	[tilespmem:s15+$0x5E30] =	vst v0  }
0xcd: {  	s16 =	sadd.s32 $0x80, s16;
	[tilespmem:s15+$0x5E40] =	vst v0  }
0xce: {  	s18 =	sand.u32 $0x7000, s17;
	s17 =	sadd.s32 $0x200, s17;
	s19 =	sand.u32 $0x380, s16;
	[tilespmem:s15+$0x5E50] =	vst v0  }
0xcf: {  	s16 =	sor.u32 s19, s18;
	[tilespmem:s15+$0x5E60] =	vst v0  }
0xd0: {  	[tilespmem:s16+$0x5E70] =	vst v0  }
0xd1: {  	[tilespmem:s16+$0x5200] =	vst v0  }
0xd2: {  	[tilespmem:s16+$0x5210] =	vst v0  }
0xd3: {  	[tilespmem:s16+$0x5220] =	vst v0  }
0xd4: {  	[tilespmem:s16+$0x5230] =	vst v0  }
0xd5: {  	[tilespmem:s16+$0x5240] =	vst v0  }
0xd6: {  	[tilespmem:s16+$0x5250] =	vst v0  }
0xd7: {  	[tilespmem:s16+$0x5260] =	vst v0  }
0xd8: {  	[tilespmem:s16+$0x5270] =	vst v0  }
0xd9: {  	[tilespmem:s16+$0x5600] =	vst v0  }
0xda: {  	[tilespmem:s16+$0x5610] =	vst v0  }
0xdb: {  	[tilespmem:s16+$0x5620] =	vst v0  }
0xdc: {  	[tilespmem:s16+$0x5630] =	vst v0  }
0xdd: {  	[tilespmem:s16+$0x5640] =	vst v0  }
0xde: {  	[tilespmem:s16+$0x5650] =	vst v0  }
0xdf: {  	[tilespmem:s16+$0x5660] =	vst v0  }
0xe0: {  	[tilespmem:s16+$0x5670] =	vst v0  }
0xe1: {  	[tilespmem:s16+$0x5A00] =	vst v0  }
0xe2: {  	[tilespmem:s16+$0x5A10] =	vst v0  }
0xe3: {  	[tilespmem:s16+$0x5A20] =	vst v0  }
0xe4: {  	[tilespmem:s16+$0x5A30] =	vst v0  }
0xe5: {  	[tilespmem:s16+$0x5A40] =	vst v0  }
0xe6: {  	[tilespmem:s16+$0x5A50] =	vst v0  }
0xe7: {  	[tilespmem:s16+$0x5A60] =	vst v0  }
0xe8: {  	[tilespmem:s16+$0x5A70] =	vst v0  }
0xe9: {  	[tilespmem:s16+$0x5E00] =	vst v0  }
0xea: {  	[tilespmem:s16+$0x5E10] =	vst v0  }
0xeb: {  	[tilespmem:s16+$0x5E20] =	vst v0  }
0xec: {  	[tilespmem:s16+$0x5E30] =	vst v0  }
0xed: {  	[tilespmem:s16+$0x5E40] =	vst v0  }
0xee: {  	[tilespmem:s16+$0x5E50] =	vst v0  }
0xef: {  	[tilespmem:s16+$0x5E60] =	vst v0  }
0xf0: {  	s15 =	simm.s32 $0x10;
	s16 =	simm.s32 $0x0;
	v3 =	vld [tilespmem:s14+$0x0]  }
.LBB2_8:
0xf1: {  	p0 =	sne.s32 s15, $0x1F0;
	_ =	sdelay $0x3  }
0xf2: {  	v4 =	vmov s14;
	v3 =	vadd.s32 $0xFFFFFFD8, v3  }
0xf3: {  	v6 =	vor.u32 s14, v1;
	s14 =	smov.u32 s15;
	v4 =	vshll.u32 v4, $0x3;
	v5 =	vmin.u32 v3, $0x27  }
0xf4: {  	v6 =	vand.u32 $0x7F, v6;
	v4 =	vand.u32 $0xC00, v4;
	v7 =	vshll.u32 v5, $0x9  }
0xf5: {  	v4 =	vor.u32 v4, v6;
	v5 =	vshll.u32 v5, $0x7;
	v7 =	vand.u32 $0x7000, v7  }
0xf6: {  	vm0 =	vlt.u32 v3, $0x28;
	v3 =	vand.u32 $0x380, v5;
	v4 =	vor.u32 v7, v4  }
0xf7: {  	v3 =	vor.u32 v3, v4;
	_ =	sdelay $0x1  }
.Ltmp5:
0xf8: {  	(pc) =	sbr.rel @p0 .LBB2_8-.Ltmp5, $3  }
0xf9: {  	_ =	sdelay $0x1  }
0xfa: {  	s16 =	sadd.s32 $0x10, s16;
	[tilespmem:v3+s11+$0x0] =	vst.idx.msk vm0, v2  }
0xfb: {  	s15 =	sadd.s32 $0x10, s15;
	v3 =	vld [tilespmem:s16+$0x0]  }
0xfc: {  	_ =	sdelay $0x3  }
0xfd: {  	v4 =	vmov s14;
	v3 =	vadd.s32 $0xFFFFFFD8, v3  }
0xfe: {  	v6 =	vor.u32 s14, v1;
	v4 =	vshll.u32 v4, $0x3;
	v5 =	vmin.u32 v3, $0x27  }
0xff: {  	v6 =	vand.u32 $0x7F, v6;
	v4 =	vand.u32 $0xC00, v4;
	v7 =	vshll.u32 v5, $0x9  }
0x100: {  	v4 =	vor.u32 v4, v6;
	v5 =	vshll.u32 v5, $0x7;
	v7 =	vand.u32 $0x7000, v7  }
0x101: {  	vm0 =	vlt.u32 v3, $0x28;
	v3 =	vand.u32 $0x380, v5;
	v4 =	vor.u32 v7, v4  }
0x102: {  	v3 =	vor.u32 v3, v4;
	_ =	sdelay $0x1  }
.Ltmp6:
0x103: {  	_ = 	snop;
	(pc) =	sbr.rel .LBB2_10-.Ltmp6, $3  }
0x104: {  	_ =	sdelay $0x1  }
0x105: {  	s14 =	simm.s32 $0x2;
	[tilespmem:v3+s11+$0x0] =	vst.idx.msk vm0, v2  }
0x106: {  	[hbm4b:s5+s9] =	stream.strided.scatter [tilespmem:s11], [sflag:$0x2], $0x5000, s10, s9, $0x38;
	[tilespmem:$0xA200] =	vst v63  }
.LBB2_22:
0x107: {  	s14 =	sadd.s32 $0x1, s14  }
0x108: {  	p0 =	sne.s32 s14, $0x19  }
.Ltmp7:
0x109: {  	_ = 	snop;
	(pc) =	sbr.rel @!p0 .LBB2_23-.Ltmp7, $1  }
0x10a: {  	_ =	sdelay $0x3  }
.LBB2_10:
0x10b: {  	s15 =	sand.u32 $0x1, s14  }
0x10c: {  	p0 =	seq.s32 s15, $0x0  }
.Ltmp8:
0x10d: {  	_ = 	snop;
	(pc) =	sbr.rel @p0 .LBB2_12-.Ltmp8, $2  }
0x10e: {  	_ =	sdelay $0x2  }
0x10f: {  	s15 =	smul.u32 $0xFFFFFFD8, s14  }
.Ltmp9:
0x110: {  	(pc) =	sbr.rel .LBB2_17-.Ltmp9, $3  }
0x111: {  	s15 =	smul.u32 $0xFFFFFFD8, s14;
	_ =	sdelay $0x1  }
0x112: {  	s16 =	sadd.s32 $0x50, s15  }
0x113: {  	v3 =	vmov s16  }
.LBB2_12:
0x114: {  	_ =	swait.ge [sflag:s7], $0x5000  }
0x115: {  	[sflag:s7] =	ssyncset.done $0x0;
	s16 =	sadd.s32 $0x50, s15  }
0x116: {  	[sflag:s7] =	ssyncadd.s32 $0xFFFFB000;
	v3 =	vmov s16;
	s16 =	simm.s32 $0x0  }
0x117: {  	s17 =	simm.s32 $0x10;
	s18 =	simm.s32 $0x0;
	v4 =	vld [tilespmem:s16+$0x0]  }
.LBB2_13:
0x118: {  	p1 =	seq.s32 s17, $0x1F0;
	_ =	sdelay $0x3  }
0x119: {  	v5 =	vmov s16;
	v4 =	vadd.s32 v3, v4  }
0x11a: {  	v7 =	vor.u32 s16, v1;
	s16 =	smov.u32 s17;
	v5 =	vshll.u32 v5, $0x3;
	v6 =	vmin.u32 v4, $0x27  }
0x11b: {  	v7 =	vand.u32 $0x7F, v7;
	v5 =	vand.u32 $0xC00, v5;
	v8 =	vshll.u32 v6, $0x9  }
0x11c: {  	v5 =	vor.u32 v5, v7;
	v6 =	vshll.u32 v6, $0x7;
	v8 =	vand.u32 $0x7000, v8  }
0x11d: {  	vm0 =	vlt.u32 v4, $0x28;
	v4 =	vand.u32 $0x380, v6;
	v5 =	vor.u32 v8, v5  }
0x11e: {  	v4 =	vor.u32 v4, v5;
	_ =	sdelay $0x1  }
.Ltmp10:
0x11f: {  	(pc) =	sbr.rel @!p1 .LBB2_13-.Ltmp10, $3  }
0x120: {  	_ =	sdelay $0x1  }
0x121: {  	s18 =	sadd.s32 $0x10, s18;
	[tilespmem:v4+s8+$0x0] =	vst.idx.msk vm0, v0  }
0x122: {  	s17 =	sadd.s32 $0x10, s17;
	v4 =	vld [tilespmem:s18+$0x0]  }
0x123: {  	_ =	sdelay $0x3  }
0x124: {  	v5 =	vmov s16;
	v4 =	vadd.s32 v3, v4  }
0x125: {  	v7 =	vor.u32 s16, v1;
	v5 =	vshll.u32 v5, $0x3;
	v6 =	vmin.u32 v4, $0x27  }
0x126: {  	v7 =	vand.u32 $0x7F, v7;
	v5 =	vand.u32 $0xC00, v5;
	v8 =	vshll.u32 v6, $0x9  }
0x127: {  	v5 =	vor.u32 v5, v7;
	v6 =	vshll.u32 v6, $0x7;
	v8 =	vand.u32 $0x7000, v8  }
0x128: {  	vm0 =	vlt.u32 v4, $0x28;
	v4 =	vand.u32 $0x380, v6;
	v5 =	vor.u32 v8, v5  }
0x129: {  	v4 =	vor.u32 v4, v5;
	_ =	sdelay $0x4  }
0x12a: {  	s16 =	simm.s32 $0x0;
	[tilespmem:v4+s8+$0x0] =	vst.idx.msk vm0, v0  }
0x12b: {  	s17 =	simm.s32 $0x10;
	s18 =	simm.s32 $0x0;
	v4 =	vmov s15;
	v5 =	vld [tilespmem:s16+$0x0]  }
.LBB2_15:
0x12c: {  	p1 =	sne.s32 s17, $0x1F0;
	_ =	sdelay $0x3  }
0x12d: {  	v6 =	vmov s16;
	v5 =	vadd.s32 v4, v5  }
0x12e: {  	v8 =	vor.u32 s16, v1;
	s16 =	smov.u32 s17;
	v6 =	vshll.u32 v6, $0x3;
	v7 =	vmin.u32 v5, $0x27  }
0x12f: {  	v8 =	vand.u32 $0x7F, v8;
	v6 =	vand.u32 $0xC00, v6;
	v9 =	vshll.u32 v7, $0x9  }
0x130: {  	v6 =	vor.u32 v6, v8;
	v7 =	vshll.u32 v7, $0x7;
	v9 =	vand.u32 $0x7000, v9  }
0x131: {  	vm0 =	vlt.u32 v5, $0x28;
	v5 =	vand.u32 $0x380, v7;
	v6 =	vor.u32 v9, v6  }
0x132: {  	v5 =	vor.u32 v5, v6;
	_ =	sdelay $0x1  }
.Ltmp11:
0x133: {  	(pc) =	sbr.rel @p1 .LBB2_15-.Ltmp11, $3  }
0x134: {  	_ =	sdelay $0x1  }
0x135: {  	s18 =	sadd.s32 $0x10, s18;
	[tilespmem:v5+s8+$0x0] =	vst.idx.msk vm0, v2  }
0x136: {  	s17 =	sadd.s32 $0x10, s17;
	v5 =	vld [tilespmem:s18+$0x0]  }
0x137: {  	_ =	sdelay $0x3  }
0x138: {  	v4 =	vadd.s32 v4, v5;
	v5 =	vmov s16  }
0x139: {  	v7 =	vor.u32 s16, v1;
	v6 =	vmin.u32 v4, $0x27;
	v5 =	vshll.u32 v5, $0x3  }
0x13a: {  	v7 =	vand.u32 $0x7F, v7;
	v8 =	vshll.u32 v6, $0x9;
	v5 =	vand.u32 $0xC00, v5  }
0x13b: {  	v6 =	vshll.u32 v6, $0x7;
	v8 =	vand.u32 $0x7000, v8;
	v5 =	vor.u32 v5, v7  }
0x13c: {  	vm0 =	vlt.u32 v4, $0x28;
	v4 =	vand.u32 $0x380, v6;
	v5 =	vor.u32 v8, v5  }
0x13d: {  	v4 =	vor.u32 v4, v5;
	_ =	sdelay $0x1  }
.Ltmp12:
0x13e: {  	_ = 	snop;
	(pc) =	sbr.rel @p0 .LBB2_22-.Ltmp12, $3  }
0x13f: {  	s31 =	smul.u32 $0x14000, s14;
	_ =	sdelay $0x1  }
0x140: {  	s16 =	sadd.s32 s31, s4;
	[tilespmem:v4+s8+$0x0] =	vst.idx.msk vm0, v2  }
0x141: {  	[hbm4b:s16+s9] =	stream.strided.scatter [tilespmem:s8], [sflag:$0x1], $0x5000, s10, s9, $0x38;
	[tilespmem:$0xA200] =	vst v63  }
.LBB2_17:
0x142: {  	_ =	swait.ge [sflag:s12], $0x5000  }
0x143: {  	[sflag:s12] =	ssyncset.done $0x0  }
0x144: {  	s16 =	simm.s32 $0x0;
	[sflag:s12] =	ssyncadd.s32 $0xFFFFB000  }
0x145: {  	s17 =	simm.s32 $0x10;
	s18 =	simm.s32 $0x0;
	v4 =	vld [tilespmem:s16+$0x0]  }
.LBB2_18:
0x146: {  	p0 =	seq.s32 s17, $0x1F0;
	_ =	sdelay $0x3  }
0x147: {  	v5 =	vmov s16;
	v4 =	vadd.s32 v3, v4  }
0x148: {  	v7 =	vor.u32 s16, v1;
	s16 =	smov.u32 s17;
	v5 =	vshll.u32 v5, $0x3;
	v6 =	vmin.u32 v4, $0x27  }
0x149: {  	v7 =	vand.u32 $0x7F, v7;
	v5 =	vand.u32 $0xC00, v5;
	v8 =	vshll.u32 v6, $0x9  }
0x14a: {  	v5 =	vor.u32 v5, v7;
	v6 =	vshll.u32 v6, $0x7;
	v8 =	vand.u32 $0x7000, v8  }
0x14b: {  	vm0 =	vlt.u32 v4, $0x28;
	v4 =	vand.u32 $0x380, v6;
	v5 =	vor.u32 v8, v5  }
0x14c: {  	v4 =	vor.u32 v4, v5;
	_ =	sdelay $0x1  }
.Ltmp13:
0x14d: {  	(pc) =	sbr.rel @!p0 .LBB2_18-.Ltmp13, $3  }
0x14e: {  	_ =	sdelay $0x1  }
0x14f: {  	s18 =	sadd.s32 $0x10, s18;
	[tilespmem:v4+s11+$0x0] =	vst.idx.msk vm0, v0  }
0x150: {  	s17 =	sadd.s32 $0x10, s17;
	v4 =	vld [tilespmem:s18+$0x0]  }
0x151: {  	_ =	sdelay $0x3  }
0x152: {  	v3 =	vadd.s32 v3, v4;
	v4 =	vmov s16  }
0x153: {  	v6 =	vor.u32 s16, v1;
	v5 =	vmin.u32 v3, $0x27;
	v4 =	vshll.u32 v4, $0x3  }
0x154: {  	v6 =	vand.u32 $0x7F, v6;
	v7 =	vshll.u32 v5, $0x9;
	v4 =	vand.u32 $0xC00, v4  }
0x155: {  	v5 =	vshll.u32 v5, $0x7;
	v7 =	vand.u32 $0x7000, v7;
	v4 =	vor.u32 v4, v6  }
0x156: {  	vm0 =	vlt.u32 v3, $0x28;
	v3 =	vand.u32 $0x380, v5;
	v4 =	vor.u32 v7, v4  }
0x157: {  	v3 =	vor.u32 v3, v4;
	_ =	sdelay $0x4  }
0x158: {  	[tilespmem:v3+s11+$0x0] =	vst.idx.msk vm0, v0;
	v3 =	vmov s15;
	s15 =	simm.s32 $0x0  }
0x159: {  	s17 =	simm.s32 $0x0;
	s16 =	simm.s32 $0x10;
	v4 =	vld [tilespmem:s15+$0x0]  }
.LBB2_20:
0x15a: {  	p0 =	sne.s32 s16, $0x1F0;
	_ =	sdelay $0x3  }
0x15b: {  	v5 =	vmov s15;
	v4 =	vadd.s32 v3, v4  }
0x15c: {  	v7 =	vor.u32 s15, v1;
	s15 =	smov.u32 s16;
	v5 =	vshll.u32 v5, $0x3;
	v6 =	vmin.u32 v4, $0x27  }
0x15d: {  	v7 =	vand.u32 $0x7F, v7;
	v5 =	vand.u32 $0xC00, v5;
	v8 =	vshll.u32 v6, $0x9  }
0x15e: {  	v5 =	vor.u32 v5, v7;
	v6 =	vshll.u32 v6, $0x7;
	v8 =	vand.u32 $0x7000, v8  }
0x15f: {  	vm0 =	vlt.u32 v4, $0x28;
	v4 =	vand.u32 $0x380, v6;
	v5 =	vor.u32 v8, v5  }
0x160: {  	v4 =	vor.u32 v4, v5;
	_ =	sdelay $0x1  }
.Ltmp14:
0x161: {  	(pc) =	sbr.rel @p0 .LBB2_20-.Ltmp14, $3  }
0x162: {  	_ =	sdelay $0x1  }
0x163: {  	s17 =	sadd.s32 $0x10, s17;
	[tilespmem:v4+s11+$0x0] =	vst.idx.msk vm0, v2  }
0x164: {  	s16 =	sadd.s32 $0x10, s16;
	v4 =	vld [tilespmem:s17+$0x0]  }
0x165: {  	_ =	sdelay $0x3  }
0x166: {  	v63 =	vmov s15;
	v3 =	vadd.s32 v3, v4  }
0x167: {  	v6 =	vor.u32 s15, v1;
	v4 =	vshll.u32 v63, $0x3;
	v5 =	vmin.u32 v3, $0x27  }
0x168: {  	v6 =	vand.u32 $0x7F, v6;
	v4 =	vand.u32 $0xC00, v4;
	v7 =	vshll.u32 v5, $0x9  }
0x169: {  	v5 =	vshll.u32 v5, $0x7;
	v4 =	vor.u32 v4, v6;
	v7 =	vand.u32 $0x7000, v7  }
0x16a: {  	vm0 =	vlt.u32 v3, $0x28;
	v3 =	vand.u32 $0x380, v5;
	v4 =	vor.u32 v7, v4  }
0x16b: {  	v3 =	vor.u32 v3, v4;
	_ =	sdelay $0x1  }
.Ltmp15:
0x16c: {  	_ = 	snop;
	(pc) =	sbr.rel .LBB2_22-.Ltmp15, $3  }
0x16d: {  	s31 =	smul.u32 $0x14000, s14;
	_ =	sdelay $0x1  }
0x16e: {  	s15 =	sadd.s32 s31, s4;
	[tilespmem:v3+s11+$0x0] =	vst.idx.msk vm0, v2  }
0x16f: {  	[hbm4b:s15+s9] =	stream.strided.scatter [tilespmem:s11], [sflag:$0x2], $0x5000, s10, s9, $0x38;
	[tilespmem:$0xA200] =	vst v63  }
.LBB2_24:
0x170: {  	_ =	sfence.sel $0x180000  }
0x171: {  	[bflag:$0x0] =	sbarrier.arrive $0xFFFF  }
0x172: {  	p0 =	sne.s32 s1, $0x0;
	_ =	strace $0x90000047  }
0x173: {  	s0 =	sadd.s32 @!p0 $0x100000, s0;
	[bflag:$0x2] =	sbarrier.arrive $0xFFFF  }
0x174: {  	[sflag:s0] =	ssyncadd.tile.s32 @!p0 $0x1;
	_ =	shalt  }
.Lfunc_end2:
_tile_overlayer_lowered:
.L_overlay_start_2:
0x175: {  	(tag) =	ssettag $0x2  }
0x176: {  	s0 =	rddreg [dreg:$0x0];
	s2 =	stileid.u32  }
0x177: {  	s1 =	rddreg [dreg:$0x1];
	p0 =	sne.s32 s2, $0x0  }
0x178: {  	s3 =	rddreg [dreg:$0x2];
	[bflag:$0x3] =	sbarrier.arrive $0xFFFF;
	s2 =	simm.s32 @!p0 $0x1C03  }
0x179: {  	[timem:s3], [sflag:s2] =	dma.local @!p0 [hbm:s0], s1  }
0x17a: {  	s0 =	simm.s32 @!p0 $0x3  }
0x17b: {  	_ =	swait.ge @!p0 [sflag:s0], s1  }
0x17c: {  	s1 =	ssub.s32 @!p0 $0x0, s1;
	[sflag:s0] =	ssyncset.done @!p0 $0x0  }
0x17d: {  	[sflag:s0] =	ssyncadd.s32 @!p0 s1  }
0x17e: {  	[bflag:$0x3] =	sbarrier.arrive $0xFFFF  }
0x17f: {  	_ =	shalt  }

</sc_bundles>
